<compile_context>
chip_gen: v7x
topology: tpu7x:2x2x1
jax: 0.10.2.dev20260603
libtpu: 0.0.44.dev20260713+nightly
codegen_flags: <defaults>
</compile_context>

<pallas_src>
import functools

import jax
import jax.numpy as jnp
from jax import lax
from jax.experimental import pallas as pl
from jax.experimental.pallas import tpu as pltpu
from jax.experimental.pallas import tpu_sc as plsc

B = 16384
E = 64
L = 16

_info = plsc.get_sparse_core_info()
NC, NS = _info.num_cores, _info.num_subcores
NW = NC * NS
BPW = B // NW
CHUNK = 128
NCHUNK = BPW // CHUNK
GROUPS = BPW // L


@functools.partial(
    pl.kernel,
    mesh=plsc.VectorSubcoreMesh(core_axis_name="c", subcore_axis_name="s"),
    out_type=jax.ShapeDtypeStruct((B,), jnp.float32),
    compiler_params=pltpu.CompilerParams(needs_layout_passes=False,
                                         use_tc_tiling_on_sc=False),
    scratch_types=[
        pltpu.VMEM((NCHUNK, CHUNK), jnp.int32),
        pltpu.VMEM((NCHUNK, CHUNK), jnp.int32),
        pltpu.VMEM((BPW, E), jnp.float32),
        pltpu.VMEM((BPW, E), jnp.float32),
        pltpu.VMEM((BPW,), jnp.float32),
        pltpu.SemaphoreType.DMA,
    ],
)
def _mf_kernel(user_idx_hbm, item_idx_hbm, user_tab_hbm, item_tab_hbm,
               out_hbm, uidx_v, iidx_v, urows_v, irows_v, out_v, sem):
    wid = lax.axis_index("s") * NC + lax.axis_index("c")
    base = wid * BPW

    for j in range(NCHUNK):
        pltpu.sync_copy(user_idx_hbm.at[pl.ds(base + j * CHUNK, CHUNK)],
                        uidx_v.at[j])
        pltpu.sync_copy(item_idx_hbm.at[pl.ds(base + j * CHUNK, CHUNK)],
                        iidx_v.at[j])

    copies = []
    for j in range(NCHUNK):
        copies.append(pltpu.async_copy(
            user_tab_hbm.at[uidx_v.at[j]],
            urows_v.at[pl.ds(j * CHUNK, CHUNK), :], sem))
        copies.append(pltpu.async_copy(
            item_tab_hbm.at[iidx_v.at[j]],
            irows_v.at[pl.ds(j * CHUNK, CHUNK), :], sem))
    for c in copies:
        c.wait()

    lanes = lax.iota(jnp.int32, L)

    def group_body(g, _):
        res = jnp.zeros((L,), jnp.float32)
        for k in range(L):
            r = g * L + k
            w = jnp.zeros((L,), jnp.float32)
            for c in range(E // L):
                u = urows_v[r, pl.ds(c * L, L)]
                v = irows_v[r, pl.ds(c * L, L)]
                w = w + u * v
            res = jnp.where(lanes == k, jnp.sum(w), res)
        out_v[pl.ds(g * L, L)] = 1.0 / (1.0 + jnp.exp(-res))
        return 0

    lax.fori_loop(0, GROUPS, group_body, 0)

    pltpu.sync_copy(out_v, out_hbm.at[pl.ds(base, BPW)])


def kernel(user_batch, item_batch, user_table, item_table):
    return _mf_kernel(user_batch, item_batch, user_table, item_table)

# --- scband reference (transcript-rebuilt; emitter-appended) ---
"""Pipeline reference for scband-mf-39994735460588 (READ-ONLY COPY).

The authoritative reference and input builder live on the scoring server;
editing this copy changes nothing except your own understanding.
"""

import jax, jax.numpy as jnp
import numpy as np

USER_SIZE = 1000000
ITEM_SIZE = 1000000
EMBED = 64
BATCH = 16384


def setup_inputs(seed: int = 0) -> dict:
    key = jax.random.key(seed)
    k1, k2, k3, k4 = jax.random.split(key, 4)
    user_batch = jax.random.randint(k1, (BATCH,), 0, USER_SIZE, dtype=jnp.int64 if jax.config.jax_enable_x64 else jnp.int32).astype(jnp.int32)
    item_batch = jax.random.randint(k2, (BATCH,), 0, ITEM_SIZE, dtype=jnp.int32)
    # he_uniform init: limit = sqrt(6 / fan_in); for embeddings fan_in = embed dim heuristic
    limit = float(np.sqrt(6.0 / EMBED))
    user_table = jax.random.uniform(k3, (USER_SIZE, EMBED), minval=-limit, maxval=limit, dtype=jnp.float32)
    item_table = jax.random.uniform(k4, (ITEM_SIZE, EMBED), minval=-limit, maxval=limit, dtype=jnp.float32)
    return {"user_batch": user_batch, "item_batch": item_batch, "user_table": user_table, "item_table": item_table}


def reference(user_batch, item_batch, user_table, item_table):
    user_embeddings = jnp.take(user_table, user_batch, axis=0)
    item_embeddings = jnp.take(item_table, item_batch, axis=0)
    return jax.nn.sigmoid(jnp.sum(user_embeddings * item_embeddings, axis=-1))

if __name__ == "__main__":
    import jax
    _d = setup_inputs()
    print(jax.jit(kernel)(*tuple(_d.values())))

</pallas_src>

<mosaic_0001>
#map = affine_map<(d0, d1) -> (0)>
#map1 = affine_map<(d0, d1) -> (0, 0)>
module attributes {stable_mosaic.version = 14 : i64} {
  func.func @_mf_kernel(%arg0: i32, %arg1: i32, %arg2: memref<16384xi32, #tpu.memory_space<hbm>>, %arg3: memref<16384xi32, #tpu.memory_space<hbm>>, %arg4: memref<1000000x64xf32, #tpu.memory_space<hbm>>, %arg5: memref<1000000x64xf32, #tpu.memory_space<hbm>>, %arg6: memref<16384xf32, #tpu.memory_space<hbm>>, %arg7: memref<4x128xi32, #tpu.memory_space<vmem>>, %arg8: memref<4x128xi32, #tpu.memory_space<vmem>>, %arg9: memref<512x64xf32, #tpu.memory_space<vmem>>, %arg10: memref<512x64xf32, #tpu.memory_space<vmem>>, %arg11: memref<512xf32, #tpu.memory_space<vmem>>, %arg12: memref<!tpu.dma_semaphore, #tpu.memory_space<semaphore_mem>>) attributes {dimension_semantics = [#tpu.dimension_semantics<core_parallel>, #tpu.dimension_semantics<subcore_parallel>], iteration_bounds = array<i64: 2, 16>, scalar_prefetch = 0 : i64, scratch_operands = 6 : i64, tpu.core_type = #tpu.core_type<sc_vector_subcore>, window_params = [{transform_indices = #map}, {transform_indices = #map}, {transform_indices = #map1}, {transform_indices = #map1}, {transform_indices = #map}]} {
    %mul3A = arith.constant 2 : i32
    %mul3A_0 = arith.muli %arg1, %mul3A : i32
    %add3A = arith.addi %mul3A_0, %arg0 : i32
    %mul3A_1 = arith.constant 512 : i32
    %mul3A_2 = arith.muli %add3A, %mul3A_1 : i32
    %add3A_3 = arith.constant 0 : i32
    %add3A_4 = arith.addi %mul3A_2, %add3A_3 : i32
    %run_scoped3A = arith.constant 0 : i32
    "tpu.region"() ({
      %run_scoped3A_190 = tpu.sem_alloc : memref<!tpu.dma_semaphore, #tpu.memory_space<semaphore_mem>>
      %dma_start3A_191 = arith.constant 0 : i32
      %dma_start3A_192 = tpu.memref_slice %arg7[%run_scoped3A, %dma_start3A_191] : memref<4x128xi32, #tpu.memory_space<vmem>> -> memref<1x128xi32, #tpu.memory_space<vmem>>
      %dma_start3A_193 = tpu.memref_squeeze %dma_start3A_192 : memref<1x128xi32, #tpu.memory_space<vmem>> -> memref<128xi32, #tpu.memory_space<vmem>>
      %dma_start3A_194 = tpu.memref_slice %arg2[%add3A_4] : memref<16384xi32, #tpu.memory_space<hbm>> -> memref<128xi32, #tpu.memory_space<hbm>>
      %dma_start3A_195 = arith.constant 0 : i32
      %dma_start3A_196 = tpu.memref_slice %arg7[%run_scoped3A, %dma_start3A_195] : memref<4x128xi32, #tpu.memory_space<vmem>> -> memref<1x128xi32, #tpu.memory_space<vmem>>
      %dma_start3A_197 = tpu.memref_squeeze %dma_start3A_196 : memref<1x128xi32, #tpu.memory_space<vmem>> -> memref<128xi32, #tpu.memory_space<vmem>>
      %dma_start3A_198 = tpu.memref_slice %arg2[%add3A_4] : memref<16384xi32, #tpu.memory_space<hbm>> -> memref<128xi32, #tpu.memory_space<hbm>>
      tpu.enqueue_dma source(%dma_start3A_198 : memref<128xi32, #tpu.memory_space<hbm>>) target(%dma_start3A_197 : memref<128xi32, #tpu.memory_space<vmem>>) target_semaphore(%run_scoped3A_190 : memref<!tpu.dma_semaphore, #tpu.memory_space<semaphore_mem>>)
      %dma_wait3A_199 = arith.constant 0 : i32
      %dma_wait3A_200 = tpu.memref_slice %arg7[%run_scoped3A, %dma_wait3A_199] : memref<4x128xi32, #tpu.memory_space<vmem>> -> memref<1x128xi32, #tpu.memory_space<vmem>>
      %dma_wait3A_201 = tpu.memref_squeeze %dma_wait3A_200 : memref<1x128xi32, #tpu.memory_space<vmem>> -> memref<128xi32, #tpu.memory_space<vmem>>
      %dma_wait3A_202 = tpu.memref_slice %arg2[%add3A_4] : memref<16384xi32, #tpu.memory_space<hbm>> -> memref<128xi32, #tpu.memory_space<hbm>>
      %dma_wait3A_203 = arith.constant 0 : i32
      %dma_wait3A_204 = tpu.memref_slice %arg7[%run_scoped3A, %dma_wait3A_203] : memref<4x128xi32, #tpu.memory_space<vmem>> -> memref<1x128xi32, #tpu.memory_space<vmem>>
      %dma_wait3A_205 = tpu.memref_squeeze %dma_wait3A_204 : memref<1x128xi32, #tpu.memory_space<vmem>> -> memref<128xi32, #tpu.memory_space<vmem>>
      %dma_wait3A_206 = tpu.memref_slice %arg2[%add3A_4] : memref<16384xi32, #tpu.memory_space<hbm>> -> memref<128xi32, #tpu.memory_space<hbm>>
      tpu.wait_dma2 semaphore(%run_scoped3A_190 : memref<!tpu.dma_semaphore, #tpu.memory_space<semaphore_mem>>) src(%dma_wait3A_206 : memref<128xi32, #tpu.memory_space<hbm>>) dst(%dma_wait3A_205 : memref<128xi32, #tpu.memory_space<vmem>>)
      tpu.yield
    }) : () -> ()
    %add3A_5 = arith.constant 0 : i32
    %add3A_6 = arith.addi %mul3A_2, %add3A_5 : i32
    %run_scoped3A_7 = arith.constant 0 : i32
    "tpu.region"() ({
      %run_scoped3A_190 = tpu.sem_alloc : memref<!tpu.dma_semaphore, #tpu.memory_space<semaphore_mem>>
      %dma_start3A_191 = arith.constant 0 : i32
      %dma_start3A_192 = tpu.memref_slice %arg8[%run_scoped3A_7, %dma_start3A_191] : memref<4x128xi32, #tpu.memory_space<vmem>> -> memref<1x128xi32, #tpu.memory_space<vmem>>
      %dma_start3A_193 = tpu.memref_squeeze %dma_start3A_192 : memref<1x128xi32, #tpu.memory_space<vmem>> -> memref<128xi32, #tpu.memory_space<vmem>>
      %dma_start3A_194 = tpu.memref_slice %arg3[%add3A_6] : memref<16384xi32, #tpu.memory_space<hbm>> -> memref<128xi32, #tpu.memory_space<hbm>>
      %dma_start3A_195 = arith.constant 0 : i32
      %dma_start3A_196 = tpu.memref_slice %arg8[%run_scoped3A_7, %dma_start3A_195] : memref<4x128xi32, #tpu.memory_space<vmem>> -> memref<1x128xi32, #tpu.memory_space<vmem>>
      %dma_start3A_197 = tpu.memref_squeeze %dma_start3A_196 : memref<1x128xi32, #tpu.memory_space<vmem>> -> memref<128xi32, #tpu.memory_space<vmem>>
      %dma_start3A_198 = tpu.memref_slice %arg3[%add3A_6] : memref<16384xi32, #tpu.memory_space<hbm>> -> memref<128xi32, #tpu.memory_space<hbm>>
      tpu.enqueue_dma source(%dma_start3A_198 : memref<128xi32, #tpu.memory_space<hbm>>) target(%dma_start3A_197 : memref<128xi32, #tpu.memory_space<vmem>>) target_semaphore(%run_scoped3A_190 : memref<!tpu.dma_semaphore, #tpu.memory_space<semaphore_mem>>)
      %dma_wait3A_199 = arith.constant 0 : i32
      %dma_wait3A_200 = tpu.memref_slice %arg8[%run_scoped3A_7, %dma_wait3A_199] : memref<4x128xi32, #tpu.memory_space<vmem>> -> memref<1x128xi32, #tpu.memory_space<vmem>>
      %dma_wait3A_201 = tpu.memref_squeeze %dma_wait3A_200 : memref<1x128xi32, #tpu.memory_space<vmem>> -> memref<128xi32, #tpu.memory_space<vmem>>
      %dma_wait3A_202 = tpu.memref_slice %arg3[%add3A_6] : memref<16384xi32, #tpu.memory_space<hbm>> -> memref<128xi32, #tpu.memory_space<hbm>>
      %dma_wait3A_203 = arith.constant 0 : i32
      %dma_wait3A_204 = tpu.memref_slice %arg8[%run_scoped3A_7, %dma_wait3A_203] : memref<4x128xi32, #tpu.memory_space<vmem>> -> memref<1x128xi32, #tpu.memory_space<vmem>>
      %dma_wait3A_205 = tpu.memref_squeeze %dma_wait3A_204 : memref<1x128xi32, #tpu.memory_space<vmem>> -> memref<128xi32, #tpu.memory_space<vmem>>
      %dma_wait3A_206 = tpu.memref_slice %arg3[%add3A_6] : memref<16384xi32, #tpu.memory_space<hbm>> -> memref<128xi32, #tpu.memory_space<hbm>>
      tpu.wait_dma2 semaphore(%run_scoped3A_190 : memref<!tpu.dma_semaphore, #tpu.memory_space<semaphore_mem>>) src(%dma_wait3A_206 : memref<128xi32, #tpu.memory_space<hbm>>) dst(%dma_wait3A_205 : memref<128xi32, #tpu.memory_space<vmem>>)
      tpu.yield
    }) : () -> ()
    %add3A_8 = arith.constant 128 : i32
    %add3A_9 = arith.addi %mul3A_2, %add3A_8 : i32
    %run_scoped3A_10 = arith.constant 1 : i32
    "tpu.region"() ({
      %run_scoped3A_190 = tpu.sem_alloc : memref<!tpu.dma_semaphore, #tpu.memory_space<semaphore_mem>>
      %dma_start3A_191 = arith.constant 0 : i32
      %dma_start3A_192 = tpu.memref_slice %arg7[%run_scoped3A_10, %dma_start3A_191] : memref<4x128xi32, #tpu.memory_space<vmem>> -> memref<1x128xi32, #tpu.memory_space<vmem>>
      %dma_start3A_193 = tpu.memref_squeeze %dma_start3A_192 : memref<1x128xi32, #tpu.memory_space<vmem>> -> memref<128xi32, #tpu.memory_space<vmem>>
      %dma_start3A_194 = tpu.memref_slice %arg2[%add3A_9] : memref<16384xi32, #tpu.memory_space<hbm>> -> memref<128xi32, #tpu.memory_space<hbm>>
      %dma_start3A_195 = arith.constant 0 : i32
      %dma_start3A_196 = tpu.memref_slice %arg7[%run_scoped3A_10, %dma_start3A_195] : memref<4x128xi32, #tpu.memory_space<vmem>> -> memref<1x128xi32, #tpu.memory_space<vmem>>
      %dma_start3A_197 = tpu.memref_squeeze %dma_start3A_196 : memref<1x128xi32, #tpu.memory_space<vmem>> -> memref<128xi32, #tpu.memory_space<vmem>>
      %dma_start3A_198 = tpu.memref_slice %arg2[%add3A_9] : memref<16384xi32, #tpu.memory_space<hbm>> -> memref<128xi32, #tpu.memory_space<hbm>>
      tpu.enqueue_dma source(%dma_start3A_198 : memref<128xi32, #tpu.memory_space<hbm>>) target(%dma_start3A_197 : memref<128xi32, #tpu.memory_space<vmem>>) target_semaphore(%run_scoped3A_190 : memref<!tpu.dma_semaphore, #tpu.memory_space<semaphore_mem>>)
      %dma_wait3A_199 = arith.constant 0 : i32
      %dma_wait3A_200 = tpu.memref_slice %arg7[%run_scoped3A_10, %dma_wait3A_199] : memref<4x128xi32, #tpu.memory_space<vmem>> -> memref<1x128xi32, #tpu.memory_space<vmem>>
      %dma_wait3A_201 = tpu.memref_squeeze %dma_wait3A_200 : memref<1x128xi32, #tpu.memory_space<vmem>> -> memref<128xi32, #tpu.memory_space<vmem>>
      %dma_wait3A_202 = tpu.memref_slice %arg2[%add3A_9] : memref<16384xi32, #tpu.memory_space<hbm>> -> memref<128xi32, #tpu.memory_space<hbm>>
      %dma_wait3A_203 = arith.constant 0 : i32
      %dma_wait3A_204 = tpu.memref_slice %arg7[%run_scoped3A_10, %dma_wait3A_203] : memref<4x128xi32, #tpu.memory_space<vmem>> -> memref<1x128xi32, #tpu.memory_space<vmem>>
      %dma_wait3A_205 = tpu.memref_squeeze %dma_wait3A_204 : memref<1x128xi32, #tpu.memory_space<vmem>> -> memref<128xi32, #tpu.memory_space<vmem>>
      %dma_wait3A_206 = tpu.memref_slice %arg2[%add3A_9] : memref<16384xi32, #tpu.memory_space<hbm>> -> memref<128xi32, #tpu.memory_space<hbm>>
      tpu.wait_dma2 semaphore(%run_scoped3A_190 : memref<!tpu.dma_semaphore, #tpu.memory_space<semaphore_mem>>) src(%dma_wait3A_206 : memref<128xi32, #tpu.memory_space<hbm>>) dst(%dma_wait3A_205 : memref<128xi32, #tpu.memory_space<vmem>>)
      tpu.yield
    }) : () -> ()
    %add3A_11 = arith.constant 128 : i32
    %add3A_12 = arith.addi %mul3A_2, %add3A_11 : i32
    %run_scoped3A_13 = arith.constant 1 : i32
    "tpu.region"() ({
      %run_scoped3A_190 = tpu.sem_alloc : memref<!tpu.dma_semaphore, #tpu.memory_space<semaphore_mem>>
      %dma_start3A_191 = arith.constant 0 : i32
      %dma_start3A_192 = tpu.memref_slice %arg8[%run_scoped3A_13, %dma_start3A_191] : memref<4x128xi32, #tpu.memory_space<vmem>> -> memref<1x128xi32, #tpu.memory_space<vmem>>
      %dma_start3A_193 = tpu.memref_squeeze %dma_start3A_192 : memref<1x128xi32, #tpu.memory_space<vmem>> -> memref<128xi32, #tpu.memory_space<vmem>>
      %dma_start3A_194 = tpu.memref_slice %arg3[%add3A_12] : memref<16384xi32, #tpu.memory_space<hbm>> -> memref<128xi32, #tpu.memory_space<hbm>>
      %dma_start3A_195 = arith.constant 0 : i32
      %dma_start3A_196 = tpu.memref_slice %arg8[%run_scoped3A_13, %dma_start3A_195] : memref<4x128xi32, #tpu.memory_space<vmem>> -> memref<1x128xi32, #tpu.memory_space<vmem>>
      %dma_start3A_197 = tpu.memref_squeeze %dma_start3A_196 : memref<1x128xi32, #tpu.memory_space<vmem>> -> memref<128xi32, #tpu.memory_space<vmem>>
      %dma_start3A_198 = tpu.memref_slice %arg3[%add3A_12] : memref<16384xi32, #tpu.memory_space<hbm>> -> memref<128xi32, #tpu.memory_space<hbm>>
      tpu.enqueue_dma source(%dma_start3A_198 : memref<128xi32, #tpu.memory_space<hbm>>) target(%dma_start3A_197 : memref<128xi32, #tpu.memory_space<vmem>>) target_semaphore(%run_scoped3A_190 : memref<!tpu.dma_semaphore, #tpu.memory_space<semaphore_mem>>)
      %dma_wait3A_199 = arith.constant 0 : i32
      %dma_wait3A_200 = tpu.memref_slice %arg8[%run_scoped3A_13, %dma_wait3A_199] : memref<4x128xi32, #tpu.memory_space<vmem>> -> memref<1x128xi32, #tpu.memory_space<vmem>>
      %dma_wait3A_201 = tpu.memref_squeeze %dma_wait3A_200 : memref<1x128xi32, #tpu.memory_space<vmem>> -> memref<128xi32, #tpu.memory_space<vmem>>
      %dma_wait3A_202 = tpu.memref_slice %arg3[%add3A_12] : memref<16384xi32, #tpu.memory_space<hbm>> -> memref<128xi32, #tpu.memory_space<hbm>>
      %dma_wait3A_203 = arith.constant 0 : i32
      %dma_wait3A_204 = tpu.memref_slice %arg8[%run_scoped3A_13, %dma_wait3A_203] : memref<4x128xi32, #tpu.memory_space<vmem>> -> memref<1x128xi32, #tpu.memory_space<vmem>>
      %dma_wait3A_205 = tpu.memref_squeeze %dma_wait3A_204 : memref<1x128xi32, #tpu.memory_space<vmem>> -> memref<128xi32, #tpu.memory_space<vmem>>
      %dma_wait3A_206 = tpu.memref_slice %arg3[%add3A_12] : memref<16384xi32, #tpu.memory_space<hbm>> -> memref<128xi32, #tpu.memory_space<hbm>>
      tpu.wait_dma2 semaphore(%run_scoped3A_190 : memref<!tpu.dma_semaphore, #tpu.memory_space<semaphore_mem>>) src(%dma_wait3A_206 : memref<128xi32, #tpu.memory_space<hbm>>) dst(%dma_wait3A_205 : memref<128xi32, #tpu.memory_space<vmem>>)
      tpu.yield
    }) : () -> ()
    %add3A_14 = arith.constant 256 : i32
    %add3A_15 = arith.addi %mul3A_2, %add3A_14 : i32
    %run_scoped3A_16 = arith.constant 2 : i32
    "tpu.region"() ({
      %run_scoped3A_190 = tpu.sem_alloc : memref<!tpu.dma_semaphore, #tpu.memory_space<semaphore_mem>>
      %dma_start3A_191 = arith.constant 0 : i32
      %dma_start3A_192 = tpu.memref_slice %arg7[%run_scoped3A_16, %dma_start3A_191] : memref<4x128xi32, #tpu.memory_space<vmem>> -> memref<1x128xi32, #tpu.memory_space<vmem>>
      %dma_start3A_193 = tpu.memref_squeeze %dma_start3A_192 : memref<1x128xi32, #tpu.memory_space<vmem>> -> memref<128xi32, #tpu.memory_space<vmem>>
      %dma_start3A_194 = tpu.memref_slice %arg2[%add3A_15] : memref<16384xi32, #tpu.memory_space<hbm>> -> memref<128xi32, #tpu.memory_space<hbm>>
      %dma_start3A_195 = arith.constant 0 : i32
      %dma_start3A_196 = tpu.memref_slice %arg7[%run_scoped3A_16, %dma_start3A_195] : memref<4x128xi32, #tpu.memory_space<vmem>> -> memref<1x128xi32, #tpu.memory_space<vmem>>
      %dma_start3A_197 = tpu.memref_squeeze %dma_start3A_196 : memref<1x128xi32, #tpu.memory_space<vmem>> -> memref<128xi32, #tpu.memory_space<vmem>>
      %dma_start3A_198 = tpu.memref_slice %arg2[%add3A_15] : memref<16384xi32, #tpu.memory_space<hbm>> -> memref<128xi32, #tpu.memory_space<hbm>>
      tpu.enqueue_dma source(%dma_start3A_198 : memref<128xi32, #tpu.memory_space<hbm>>) target(%dma_start3A_197 : memref<128xi32, #tpu.memory_space<vmem>>) target_semaphore(%run_scoped3A_190 : memref<!tpu.dma_semaphore, #tpu.memory_space<semaphore_mem>>)
      %dma_wait3A_199 = arith.constant 0 : i32
      %dma_wait3A_200 = tpu.memref_slice %arg7[%run_scoped3A_16, %dma_wait3A_199] : memref<4x128xi32, #tpu.memory_space<vmem>> -> memref<1x128xi32, #tpu.memory_space<vmem>>
      %dma_wait3A_201 = tpu.memref_squeeze %dma_wait3A_200 : memref<1x128xi32, #tpu.memory_space<vmem>> -> memref<128xi32, #tpu.memory_space<vmem>>
      %dma_wait3A_202 = tpu.memref_slice %arg2[%add3A_15] : memref<16384xi32, #tpu.memory_space<hbm>> -> memref<128xi32, #tpu.memory_space<hbm>>
      %dma_wait3A_203 = arith.constant 0 : i32
      %dma_wait3A_204 = tpu.memref_slice %arg7[%run_scoped3A_16, %dma_wait3A_203] : memref<4x128xi32, #tpu.memory_space<vmem>> -> memref<1x128xi32, #tpu.memory_space<vmem>>
      %dma_wait3A_205 = tpu.memref_squeeze %dma_wait3A_204 : memref<1x128xi32, #tpu.memory_space<vmem>> -> memref<128xi32, #tpu.memory_space<vmem>>
      %dma_wait3A_206 = tpu.memref_slice %arg2[%add3A_15] : memref<16384xi32, #tpu.memory_space<hbm>> -> memref<128xi32, #tpu.memory_space<hbm>>
      tpu.wait_dma2 semaphore(%run_scoped3A_190 : memref<!tpu.dma_semaphore, #tpu.memory_space<semaphore_mem>>) src(%dma_wait3A_206 : memref<128xi32, #tpu.memory_space<hbm>>) dst(%dma_wait3A_205 : memref<128xi32, #tpu.memory_space<vmem>>)
      tpu.yield
    }) : () -> ()
    %add3A_17 = arith.constant 256 : i32
    %add3A_18 = arith.addi %mul3A_2, %add3A_17 : i32
    %run_scoped3A_19 = arith.constant 2 : i32
    "tpu.region"() ({
      %run_scoped3A_190 = tpu.sem_alloc : memref<!tpu.dma_semaphore, #tpu.memory_space<semaphore_mem>>
      %dma_start3A_191 = arith.constant 0 : i32
      %dma_start3A_192 = tpu.memref_slice %arg8[%run_scoped3A_19, %dma_start3A_191] : memref<4x128xi32, #tpu.memory_space<vmem>> -> memref<1x128xi32, #tpu.memory_space<vmem>>
      %dma_start3A_193 = tpu.memref_squeeze %dma_start3A_192 : memref<1x128xi32, #tpu.memory_space<vmem>> -> memref<128xi32, #tpu.memory_space<vmem>>
      %dma_start3A_194 = tpu.memref_slice %arg3[%add3A_18] : memref<16384xi32, #tpu.memory_space<hbm>> -> memref<128xi32, #tpu.memory_space<hbm>>
      %dma_start3A_195 = arith.constant 0 : i32
      %dma_start3A_196 = tpu.memref_slice %arg8[%run_scoped3A_19, %dma_start3A_195] : memref<4x128xi32, #tpu.memory_space<vmem>> -> memref<1x128xi32, #tpu.memory_space<vmem>>
      %dma_start3A_197 = tpu.memref_squeeze %dma_start3A_196 : memref<1x128xi32, #tpu.memory_space<vmem>> -> memref<128xi32, #tpu.memory_space<vmem>>
      %dma_start3A_198 = tpu.memref_slice %arg3[%add3A_18] : memref<16384xi32, #tpu.memory_space<hbm>> -> memref<128xi32, #tpu.memory_space<hbm>>
      tpu.enqueue_dma source(%dma_start3A_198 : memref<128xi32, #tpu.memory_space<hbm>>) target(%dma_start3A_197 : memref<128xi32, #tpu.memory_space<vmem>>) target_semaphore(%run_scoped3A_190 : memref<!tpu.dma_semaphore, #tpu.memory_space<semaphore_mem>>)
      %dma_wait3A_199 = arith.constant 0 : i32
      %dma_wait3A_200 = tpu.memref_slice %arg8[%run_scoped3A_19, %dma_wait3A_199] : memref<4x128xi32, #tpu.memory_space<vmem>> -> memref<1x128xi32, #tpu.memory_space<vmem>>
      %dma_wait3A_201 = tpu.memref_squeeze %dma_wait3A_200 : memref<1x128xi32, #tpu.memory_space<vmem>> -> memref<128xi32, #tpu.memory_space<vmem>>
      %dma_wait3A_202 = tpu.memref_slice %arg3[%add3A_18] : memref<16384xi32, #tpu.memory_space<hbm>> -> memref<128xi32, #tpu.memory_space<hbm>>
      %dma_wait3A_203 = arith.constant 0 : i32
      %dma_wait3A_204 = tpu.memref_slice %arg8[%run_scoped3A_19, %dma_wait3A_203] : memref<4x128xi32, #tpu.memory_space<vmem>> -> memref<1x128xi32, #tpu.memory_space<vmem>>
      %dma_wait3A_205 = tpu.memref_squeeze %dma_wait3A_204 : memref<1x128xi32, #tpu.memory_space<vmem>> -> memref<128xi32, #tpu.memory_space<vmem>>
      %dma_wait3A_206 = tpu.memref_slice %arg3[%add3A_18] : memref<16384xi32, #tpu.memory_space<hbm>> -> memref<128xi32, #tpu.memory_space<hbm>>
      tpu.wait_dma2 semaphore(%run_scoped3A_190 : memref<!tpu.dma_semaphore, #tpu.memory_space<semaphore_mem>>) src(%dma_wait3A_206 : memref<128xi32, #tpu.memory_space<hbm>>) dst(%dma_wait3A_205 : memref<128xi32, #tpu.memory_space<vmem>>)
      tpu.yield
    }) : () -> ()
    %add3A_20 = arith.constant 384 : i32
    %add3A_21 = arith.addi %mul3A_2, %add3A_20 : i32
    %run_scoped3A_22 = arith.constant 3 : i32
    "tpu.region"() ({
      %run_scoped3A_190 = tpu.sem_alloc : memref<!tpu.dma_semaphore, #tpu.memory_space<semaphore_mem>>
      %dma_start3A_191 = arith.constant 0 : i32
      %dma_start3A_192 = tpu.memref_slice %arg7[%run_scoped3A_22, %dma_start3A_191] : memref<4x128xi32, #tpu.memory_space<vmem>> -> memref<1x128xi32, #tpu.memory_space<vmem>>
      %dma_start3A_193 = tpu.memref_squeeze %dma_start3A_192 : memref<1x128xi32, #tpu.memory_space<vmem>> -> memref<128xi32, #tpu.memory_space<vmem>>
      %dma_start3A_194 = tpu.memref_slice %arg2[%add3A_21] : memref<16384xi32, #tpu.memory_space<hbm>> -> memref<128xi32, #tpu.memory_space<hbm>>
      %dma_start3A_195 = arith.constant 0 : i32
      %dma_start3A_196 = tpu.memref_slice %arg7[%run_scoped3A_22, %dma_start3A_195] : memref<4x128xi32, #tpu.memory_space<vmem>> -> memref<1x128xi32, #tpu.memory_space<vmem>>
      %dma_start3A_197 = tpu.memref_squeeze %dma_start3A_196 : memref<1x128xi32, #tpu.memory_space<vmem>> -> memref<128xi32, #tpu.memory_space<vmem>>
      %dma_start3A_198 = tpu.memref_slice %arg2[%add3A_21] : memref<16384xi32, #tpu.memory_space<hbm>> -> memref<128xi32, #tpu.memory_space<hbm>>
      tpu.enqueue_dma source(%dma_start3A_198 : memref<128xi32, #tpu.memory_space<hbm>>) target(%dma_start3A_197 : memref<128xi32, #tpu.memory_space<vmem>>) target_semaphore(%run_scoped3A_190 : memref<!tpu.dma_semaphore, #tpu.memory_space<semaphore_mem>>)
      %dma_wait3A_199 = arith.constant 0 : i32
      %dma_wait3A_200 = tpu.memref_slice %arg7[%run_scoped3A_22, %dma_wait3A_199] : memref<4x128xi32, #tpu.memory_space<vmem>> -> memref<1x128xi32, #tpu.memory_space<vmem>>
      %dma_wait3A_201 = tpu.memref_squeeze %dma_wait3A_200 : memref<1x128xi32, #tpu.memory_space<vmem>> -> memref<128xi32, #tpu.memory_space<vmem>>
      %dma_wait3A_202 = tpu.memref_slice %arg2[%add3A_21] : memref<16384xi32, #tpu.memory_space<hbm>> -> memref<128xi32, #tpu.memory_space<hbm>>
      %dma_wait3A_203 = arith.constant 0 : i32
      %dma_wait3A_204 = tpu.memref_slice %arg7[%run_scoped3A_22, %dma_wait3A_203] : memref<4x128xi32, #tpu.memory_space<vmem>> -> memref<1x128xi32, #tpu.memory_space<vmem>>
      %dma_wait3A_205 = tpu.memref_squeeze %dma_wait3A_204 : memref<1x128xi32, #tpu.memory_space<vmem>> -> memref<128xi32, #tpu.memory_space<vmem>>
      %dma_wait3A_206 = tpu.memref_slice %arg2[%add3A_21] : memref<16384xi32, #tpu.memory_space<hbm>> -> memref<128xi32, #tpu.memory_space<hbm>>
      tpu.wait_dma2 semaphore(%run_scoped3A_190 : memref<!tpu.dma_semaphore, #tpu.memory_space<semaphore_mem>>) src(%dma_wait3A_206 : memref<128xi32, #tpu.memory_space<hbm>>) dst(%dma_wait3A_205 : memref<128xi32, #tpu.memory_space<vmem>>)
      tpu.yield
    }) : () -> ()
    %add3A_23 = arith.constant 384 : i32
    %add3A_24 = arith.addi %mul3A_2, %add3A_23 : i32
    %run_scoped3A_25 = arith.constant 3 : i32
    "tpu.region"() ({
      %run_scoped3A_190 = tpu.sem_alloc : memref<!tpu.dma_semaphore, #tpu.memory_space<semaphore_mem>>
      %dma_start3A_191 = arith.constant 0 : i32
      %dma_start3A_192 = tpu.memref_slice %arg8[%run_scoped3A_25, %dma_start3A_191] : memref<4x128xi32, #tpu.memory_space<vmem>> -> memref<1x128xi32, #tpu.memory_space<vmem>>
      %dma_start3A_193 = tpu.memref_squeeze %dma_start3A_192 : memref<1x128xi32, #tpu.memory_space<vmem>> -> memref<128xi32, #tpu.memory_space<vmem>>
      %dma_start3A_194 = tpu.memref_slice %arg3[%add3A_24] : memref<16384xi32, #tpu.memory_space<hbm>> -> memref<128xi32, #tpu.memory_space<hbm>>
      %dma_start3A_195 = arith.constant 0 : i32
      %dma_start3A_196 = tpu.memref_slice %arg8[%run_scoped3A_25, %dma_start3A_195] : memref<4x128xi32, #tpu.memory_space<vmem>> -> memref<1x128xi32, #tpu.memory_space<vmem>>
      %dma_start3A_197 = tpu.memref_squeeze %dma_start3A_196 : memref<1x128xi32, #tpu.memory_space<vmem>> -> memref<128xi32, #tpu.memory_space<vmem>>
      %dma_start3A_198 = tpu.memref_slice %arg3[%add3A_24] : memref<16384xi32, #tpu.memory_space<hbm>> -> memref<128xi32, #tpu.memory_space<hbm>>
      tpu.enqueue_dma source(%dma_start3A_198 : memref<128xi32, #tpu.memory_space<hbm>>) target(%dma_start3A_197 : memref<128xi32, #tpu.memory_space<vmem>>) target_semaphore(%run_scoped3A_190 : memref<!tpu.dma_semaphore, #tpu.memory_space<semaphore_mem>>)
      %dma_wait3A_199 = arith.constant 0 : i32
      %dma_wait3A_200 = tpu.memref_slice %arg8[%run_scoped3A_25, %dma_wait3A_199] : memref<4x128xi32, #tpu.memory_space<vmem>> -> memref<1x128xi32, #tpu.memory_space<vmem>>
      %dma_wait3A_201 = tpu.memref_squeeze %dma_wait3A_200 : memref<1x128xi32, #tpu.memory_space<vmem>> -> memref<128xi32, #tpu.memory_space<vmem>>
      %dma_wait3A_202 = tpu.memref_slice %arg3[%add3A_24] : memref<16384xi32, #tpu.memory_space<hbm>> -> memref<128xi32, #tpu.memory_space<hbm>>
      %dma_wait3A_203 = arith.constant 0 : i32
      %dma_wait3A_204 = tpu.memref_slice %arg8[%run_scoped3A_25, %dma_wait3A_203] : memref<4x128xi32, #tpu.memory_space<vmem>> -> memref<1x128xi32, #tpu.memory_space<vmem>>
      %dma_wait3A_205 = tpu.memref_squeeze %dma_wait3A_204 : memref<1x128xi32, #tpu.memory_space<vmem>> -> memref<128xi32, #tpu.memory_space<vmem>>
      %dma_wait3A_206 = tpu.memref_slice %arg3[%add3A_24] : memref<16384xi32, #tpu.memory_space<hbm>> -> memref<128xi32, #tpu.memory_space<hbm>>
      tpu.wait_dma2 semaphore(%run_scoped3A_190 : memref<!tpu.dma_semaphore, #tpu.memory_space<semaphore_mem>>) src(%dma_wait3A_206 : memref<128xi32, #tpu.memory_space<hbm>>) dst(%dma_wait3A_205 : memref<128xi32, #tpu.memory_space<vmem>>)
      tpu.yield
    }) : () -> ()
    %dma_start3A = arith.constant 0 : i32
    %dma_start3A_26 = arith.constant 0 : i32
    %dma_start3A_27 = arith.constant 0 : i32
    %dma_start3A_28 = tpu.memref_slice %arg9[%dma_start3A_26, %dma_start3A_27] : memref<512x64xf32, #tpu.memory_space<vmem>> -> memref<128x64xf32, #tpu.memory_space<vmem>>
    %dma_start3A_29 = arith.constant 0 : i32
    %dma_start3A_30 = tpu.memref_slice %arg7[%dma_start3A, %dma_start3A_29] : memref<4x128xi32, #tpu.memory_space<vmem>> -> memref<1x128xi32, #tpu.memory_space<vmem>>
    %dma_start3A_31 = tpu.memref_squeeze %dma_start3A_30 : memref<1x128xi32, #tpu.memory_space<vmem>> -> memref<128xi32, #tpu.memory_space<vmem>>
    %dma_start3A_32 = arith.constant 0 : i32
    %dma_start3A_33 = arith.constant 0 : i32
    %dma_start3A_34 = tpu.memref_slice %arg4[%dma_start3A_32, %dma_start3A_33] : memref<1000000x64xf32, #tpu.memory_space<hbm>> -> memref<1000000x64xf32, #tpu.memory_space<hbm>>
    tpu.enqueue_indirect_dma source(%dma_start3A_34 : memref<1000000x64xf32, #tpu.memory_space<hbm>>) target(%dma_start3A_28 : memref<128x64xf32, #tpu.memory_space<vmem>>) offsets(%dma_start3A_31 : memref<128xi32, #tpu.memory_space<vmem>>) semaphore(%arg12 : memref<!tpu.dma_semaphore, #tpu.memory_space<semaphore_mem>>)
    %dma_start3A_35 = arith.constant 0 : i32
    %dma_start3A_36 = arith.constant 0 : i32
    %dma_start3A_37 = arith.constant 0 : i32
    %dma_start3A_38 = tpu.memref_slice %arg10[%dma_start3A_36, %dma_start3A_37] : memref<512x64xf32, #tpu.memory_space<vmem>> -> memref<128x64xf32, #tpu.memory_space<vmem>>
    %dma_start3A_39 = arith.constant 0 : i32
    %dma_start3A_40 = tpu.memref_slice %arg8[%dma_start3A_35, %dma_start3A_39] : memref<4x128xi32, #tpu.memory_space<vmem>> -> memref<1x128xi32, #tpu.memory_space<vmem>>
    %dma_start3A_41 = tpu.memref_squeeze %dma_start3A_40 : memref<1x128xi32, #tpu.memory_space<vmem>> -> memref<128xi32, #tpu.memory_space<vmem>>
    %dma_start3A_42 = arith.constant 0 : i32
    %dma_start3A_43 = arith.constant 0 : i32
    %dma_start3A_44 = tpu.memref_slice %arg5[%dma_start3A_42, %dma_start3A_43] : memref<1000000x64xf32, #tpu.memory_space<hbm>> -> memref<1000000x64xf32, #tpu.memory_space<hbm>>
    tpu.enqueue_indirect_dma source(%dma_start3A_44 : memref<1000000x64xf32, #tpu.memory_space<hbm>>) target(%dma_start3A_38 : memref<128x64xf32, #tpu.memory_space<vmem>>) offsets(%dma_start3A_41 : memref<128xi32, #tpu.memory_space<vmem>>) semaphore(%arg12 : memref<!tpu.dma_semaphore, #tpu.memory_space<semaphore_mem>>)
    %dma_start3A_45 = arith.constant 1 : i32
    %dma_start3A_46 = arith.constant 128 : i32
    %dma_start3A_47 = arith.constant 0 : i32
    %dma_start3A_48 = tpu.memref_slice %arg9[%dma_start3A_46, %dma_start3A_47] : memref<512x64xf32, #tpu.memory_space<vmem>> -> memref<128x64xf32, #tpu.memory_space<vmem>>
    %dma_start3A_49 = arith.constant 0 : i32
    %dma_start3A_50 = tpu.memref_slice %arg7[%dma_start3A_45, %dma_start3A_49] : memref<4x128xi32, #tpu.memory_space<vmem>> -> memref<1x128xi32, #tpu.memory_space<vmem>>
    %dma_start3A_51 = tpu.memref_squeeze %dma_start3A_50 : memref<1x128xi32, #tpu.memory_space<vmem>> -> memref<128xi32, #tpu.memory_space<vmem>>
    %dma_start3A_52 = arith.constant 0 : i32
    %dma_start3A_53 = arith.constant 0 : i32
    %dma_start3A_54 = tpu.memref_slice %arg4[%dma_start3A_52, %dma_start3A_53] : memref<1000000x64xf32, #tpu.memory_space<hbm>> -> memref<1000000x64xf32, #tpu.memory_space<hbm>>
    tpu.enqueue_indirect_dma source(%dma_start3A_54 : memref<1000000x64xf32, #tpu.memory_space<hbm>>) target(%dma_start3A_48 : memref<128x64xf32, #tpu.memory_space<vmem>>) offsets(%dma_start3A_51 : memref<128xi32, #tpu.memory_space<vmem>>) semaphore(%arg12 : memref<!tpu.dma_semaphore, #tpu.memory_space<semaphore_mem>>)
    %dma_start3A_55 = arith.constant 1 : i32
    %dma_start3A_56 = arith.constant 128 : i32
    %dma_start3A_57 = arith.constant 0 : i32
    %dma_start3A_58 = tpu.memref_slice %arg10[%dma_start3A_56, %dma_start3A_57] : memref<512x64xf32, #tpu.memory_space<vmem>> -> memref<128x64xf32, #tpu.memory_space<vmem>>
    %dma_start3A_59 = arith.constant 0 : i32
    %dma_start3A_60 = tpu.memref_slice %arg8[%dma_start3A_55, %dma_start3A_59] : memref<4x128xi32, #tpu.memory_space<vmem>> -> memref<1x128xi32, #tpu.memory_space<vmem>>
    %dma_start3A_61 = tpu.memref_squeeze %dma_start3A_60 : memref<1x128xi32, #tpu.memory_space<vmem>> -> memref<128xi32, #tpu.memory_space<vmem>>
    %dma_start3A_62 = arith.constant 0 : i32
    %dma_start3A_63 = arith.constant 0 : i32
    %dma_start3A_64 = tpu.memref_slice %arg5[%dma_start3A_62, %dma_start3A_63] : memref<1000000x64xf32, #tpu.memory_space<hbm>> -> memref<1000000x64xf32, #tpu.memory_space<hbm>>
    tpu.enqueue_indirect_dma source(%dma_start3A_64 : memref<1000000x64xf32, #tpu.memory_space<hbm>>) target(%dma_start3A_58 : memref<128x64xf32, #tpu.memory_space<vmem>>) offsets(%dma_start3A_61 : memref<128xi32, #tpu.memory_space<vmem>>) semaphore(%arg12 : memref<!tpu.dma_semaphore, #tpu.memory_space<semaphore_mem>>)
    %dma_start3A_65 = arith.constant 2 : i32
    %dma_start3A_66 = arith.constant 256 : i32
    %dma_start3A_67 = arith.constant 0 : i32
    %dma_start3A_68 = tpu.memref_slice %arg9[%dma_start3A_66, %dma_start3A_67] : memref<512x64xf32, #tpu.memory_space<vmem>> -> memref<128x64xf32, #tpu.memory_space<vmem>>
    %dma_start3A_69 = arith.constant 0 : i32
    %dma_start3A_70 = tpu.memref_slice %arg7[%dma_start3A_65, %dma_start3A_69] : memref<4x128xi32, #tpu.memory_space<vmem>> -> memref<1x128xi32, #tpu.memory_space<vmem>>
    %dma_start3A_71 = tpu.memref_squeeze %dma_start3A_70 : memref<1x128xi32, #tpu.memory_space<vmem>> -> memref<128xi32, #tpu.memory_space<vmem>>
    %dma_start3A_72 = arith.constant 0 : i32
    %dma_start3A_73 = arith.constant 0 : i32
    %dma_start3A_74 = tpu.memref_slice %arg4[%dma_start3A_72, %dma_start3A_73] : memref<1000000x64xf32, #tpu.memory_space<hbm>> -> memref<1000000x64xf32, #tpu.memory_space<hbm>>
    tpu.enqueue_indirect_dma source(%dma_start3A_74 : memref<1000000x64xf32, #tpu.memory_space<hbm>>) target(%dma_start3A_68 : memref<128x64xf32, #tpu.memory_space<vmem>>) offsets(%dma_start3A_71 : memref<128xi32, #tpu.memory_space<vmem>>) semaphore(%arg12 : memref<!tpu.dma_semaphore, #tpu.memory_space<semaphore_mem>>)
    %dma_start3A_75 = arith.constant 2 : i32
    %dma_start3A_76 = arith.constant 256 : i32
    %dma_start3A_77 = arith.constant 0 : i32
    %dma_start3A_78 = tpu.memref_slice %arg10[%dma_start3A_76, %dma_start3A_77] : memref<512x64xf32, #tpu.memory_space<vmem>> -> memref<128x64xf32, #tpu.memory_space<vmem>>
    %dma_start3A_79 = arith.constant 0 : i32
    %dma_start3A_80 = tpu.memref_slice %arg8[%dma_start3A_75, %dma_start3A_79] : memref<4x128xi32, #tpu.memory_space<vmem>> -> memref<1x128xi32, #tpu.memory_space<vmem>>
    %dma_start3A_81 = tpu.memref_squeeze %dma_start3A_80 : memref<1x128xi32, #tpu.memory_space<vmem>> -> memref<128xi32, #tpu.memory_space<vmem>>
    %dma_start3A_82 = arith.constant 0 : i32
    %dma_start3A_83 = arith.constant 0 : i32
    %dma_start3A_84 = tpu.memref_slice %arg5[%dma_start3A_82, %dma_start3A_83] : memref<1000000x64xf32, #tpu.memory_space<hbm>> -> memref<1000000x64xf32, #tpu.memory_space<hbm>>
    tpu.enqueue_indirect_dma source(%dma_start3A_84 : memref<1000000x64xf32, #tpu.memory_space<hbm>>) target(%dma_start3A_78 : memref<128x64xf32, #tpu.memory_space<vmem>>) offsets(%dma_start3A_81 : memref<128xi32, #tpu.memory_space<vmem>>) semaphore(%arg12 : memref<!tpu.dma_semaphore, #tpu.memory_space<semaphore_mem>>)
    %dma_start3A_85 = arith.constant 3 : i32
    %dma_start3A_86 = arith.constant 384 : i32
    %dma_start3A_87 = arith.constant 0 : i32
    %dma_start3A_88 = tpu.memref_slice %arg9[%dma_start3A_86, %dma_start3A_87] : memref<512x64xf32, #tpu.memory_space<vmem>> -> memref<128x64xf32, #tpu.memory_space<vmem>>
    %dma_start3A_89 = arith.constant 0 : i32
    %dma_start3A_90 = tpu.memref_slice %arg7[%dma_start3A_85, %dma_start3A_89] : memref<4x128xi32, #tpu.memory_space<vmem>> -> memref<1x128xi32, #tpu.memory_space<vmem>>
    %dma_start3A_91 = tpu.memref_squeeze %dma_start3A_90 : memref<1x128xi32, #tpu.memory_space<vmem>> -> memref<128xi32, #tpu.memory_space<vmem>>
    %dma_start3A_92 = arith.constant 0 : i32
    %dma_start3A_93 = arith.constant 0 : i32
    %dma_start3A_94 = tpu.memref_slice %arg4[%dma_start3A_92, %dma_start3A_93] : memref<1000000x64xf32, #tpu.memory_space<hbm>> -> memref<1000000x64xf32, #tpu.memory_space<hbm>>
    tpu.enqueue_indirect_dma source(%dma_start3A_94 : memref<1000000x64xf32, #tpu.memory_space<hbm>>) target(%dma_start3A_88 : memref<128x64xf32, #tpu.memory_space<vmem>>) offsets(%dma_start3A_91 : memref<128xi32, #tpu.memory_space<vmem>>) semaphore(%arg12 : memref<!tpu.dma_semaphore, #tpu.memory_space<semaphore_mem>>)
    %dma_start3A_95 = arith.constant 3 : i32
    %dma_start3A_96 = arith.constant 384 : i32
    %dma_start3A_97 = arith.constant 0 : i32
    %dma_start3A_98 = tpu.memref_slice %arg10[%dma_start3A_96, %dma_start3A_97] : memref<512x64xf32, #tpu.memory_space<vmem>> -> memref<128x64xf32, #tpu.memory_space<vmem>>
    %dma_start3A_99 = arith.constant 0 : i32
    %dma_start3A_100 = tpu.memref_slice %arg8[%dma_start3A_95, %dma_start3A_99] : memref<4x128xi32, #tpu.memory_space<vmem>> -> memref<1x128xi32, #tpu.memory_space<vmem>>
    %dma_start3A_101 = tpu.memref_squeeze %dma_start3A_100 : memref<1x128xi32, #tpu.memory_space<vmem>> -> memref<128xi32, #tpu.memory_space<vmem>>
    %dma_start3A_102 = arith.constant 0 : i32
    %dma_start3A_103 = arith.constant 0 : i32
    %dma_start3A_104 = tpu.memref_slice %arg5[%dma_start3A_102, %dma_start3A_103] : memref<1000000x64xf32, #tpu.memory_space<hbm>> -> memref<1000000x64xf32, #tpu.memory_space<hbm>>
    tpu.enqueue_indirect_dma source(%dma_start3A_104 : memref<1000000x64xf32, #tpu.memory_space<hbm>>) target(%dma_start3A_98 : memref<128x64xf32, #tpu.memory_space<vmem>>) offsets(%dma_start3A_101 : memref<128xi32, #tpu.memory_space<vmem>>) semaphore(%arg12 : memref<!tpu.dma_semaphore, #tpu.memory_space<semaphore_mem>>)
    %dma_wait3A = arith.constant 0 : i32
    %dma_wait3A_105 = arith.constant 0 : i32
    %dma_wait3A_106 = arith.constant 0 : i32
    %dma_wait3A_107 = tpu.memref_slice %arg9[%dma_wait3A_105, %dma_wait3A_106] : memref<512x64xf32, #tpu.memory_space<vmem>> -> memref<128x64xf32, #tpu.memory_space<vmem>>
    %dma_wait3A_108 = arith.constant 0 : i32
    %dma_wait3A_109 = tpu.memref_slice %arg7[%dma_wait3A, %dma_wait3A_108] : memref<4x128xi32, #tpu.memory_space<vmem>> -> memref<1x128xi32, #tpu.memory_space<vmem>>
    %dma_wait3A_110 = tpu.memref_squeeze %dma_wait3A_109 : memref<1x128xi32, #tpu.memory_space<vmem>> -> memref<128xi32, #tpu.memory_space<vmem>>
    %dma_wait3A_111 = arith.constant 0 : i32
    %dma_wait3A_112 = arith.constant 0 : i32
    %dma_wait3A_113 = tpu.memref_slice %arg4[%dma_wait3A_111, %dma_wait3A_112] : memref<1000000x64xf32, #tpu.memory_space<hbm>> -> memref<1000000x64xf32, #tpu.memory_space<hbm>>
    tpu.wait_indirect_dma semaphore(%arg12 : memref<!tpu.dma_semaphore, #tpu.memory_space<semaphore_mem>>) src(%dma_wait3A_113 : memref<1000000x64xf32, #tpu.memory_space<hbm>>) dst(%dma_wait3A_107 : memref<128x64xf32, #tpu.memory_space<vmem>>)
    %dma_wait3A_114 = arith.constant 0 : i32
    %dma_wait3A_115 = arith.constant 0 : i32
    %dma_wait3A_116 = arith.constant 0 : i32
    %dma_wait3A_117 = tpu.memref_slice %arg10[%dma_wait3A_115, %dma_wait3A_116] : memref<512x64xf32, #tpu.memory_space<vmem>> -> memref<128x64xf32, #tpu.memory_space<vmem>>
    %dma_wait3A_118 = arith.constant 0 : i32
    %dma_wait3A_119 = tpu.memref_slice %arg8[%dma_wait3A_114, %dma_wait3A_118] : memref<4x128xi32, #tpu.memory_space<vmem>> -> memref<1x128xi32, #tpu.memory_space<vmem>>
    %dma_wait3A_120 = tpu.memref_squeeze %dma_wait3A_119 : memref<1x128xi32, #tpu.memory_space<vmem>> -> memref<128xi32, #tpu.memory_space<vmem>>
    %dma_wait3A_121 = arith.constant 0 : i32
    %dma_wait3A_122 = arith.constant 0 : i32
    %dma_wait3A_123 = tpu.memref_slice %arg5[%dma_wait3A_121, %dma_wait3A_122] : memref<1000000x64xf32, #tpu.memory_space<hbm>> -> memref<1000000x64xf32, #tpu.memory_space<hbm>>
    tpu.wait_indirect_dma semaphore(%arg12 : memref<!tpu.dma_semaphore, #tpu.memory_space<semaphore_mem>>) src(%dma_wait3A_123 : memref<1000000x64xf32, #tpu.memory_space<hbm>>) dst(%dma_wait3A_117 : memref<128x64xf32, #tpu.memory_space<vmem>>)
    %dma_wait3A_124 = arith.constant 1 : i32
    %dma_wait3A_125 = arith.constant 128 : i32
    %dma_wait3A_126 = arith.constant 0 : i32
    %dma_wait3A_127 = tpu.memref_slice %arg9[%dma_wait3A_125, %dma_wait3A_126] : memref<512x64xf32, #tpu.memory_space<vmem>> -> memref<128x64xf32, #tpu.memory_space<vmem>>
    %dma_wait3A_128 = arith.constant 0 : i32
    %dma_wait3A_129 = tpu.memref_slice %arg7[%dma_wait3A_124, %dma_wait3A_128] : memref<4x128xi32, #tpu.memory_space<vmem>> -> memref<1x128xi32, #tpu.memory_space<vmem>>
    %dma_wait3A_130 = tpu.memref_squeeze %dma_wait3A_129 : memref<1x128xi32, #tpu.memory_space<vmem>> -> memref<128xi32, #tpu.memory_space<vmem>>
    %dma_wait3A_131 = arith.constant 0 : i32
    %dma_wait3A_132 = arith.constant 0 : i32
    %dma_wait3A_133 = tpu.memref_slice %arg4[%dma_wait3A_131, %dma_wait3A_132] : memref<1000000x64xf32, #tpu.memory_space<hbm>> -> memref<1000000x64xf32, #tpu.memory_space<hbm>>
    tpu.wait_indirect_dma semaphore(%arg12 : memref<!tpu.dma_semaphore, #tpu.memory_space<semaphore_mem>>) src(%dma_wait3A_133 : memref<1000000x64xf32, #tpu.memory_space<hbm>>) dst(%dma_wait3A_127 : memref<128x64xf32, #tpu.memory_space<vmem>>)
    %dma_wait3A_134 = arith.constant 1 : i32
    %dma_wait3A_135 = arith.constant 128 : i32
    %dma_wait3A_136 = arith.constant 0 : i32
    %dma_wait3A_137 = tpu.memref_slice %arg10[%dma_wait3A_135, %dma_wait3A_136] : memref<512x64xf32, #tpu.memory_space<vmem>> -> memref<128x64xf32, #tpu.memory_space<vmem>>
    %dma_wait3A_138 = arith.constant 0 : i32
    %dma_wait3A_139 = tpu.memref_slice %arg8[%dma_wait3A_134, %dma_wait3A_138] : memref<4x128xi32, #tpu.memory_space<vmem>> -> memref<1x128xi32, #tpu.memory_space<vmem>>
    %dma_wait3A_140 = tpu.memref_squeeze %dma_wait3A_139 : memref<1x128xi32, #tpu.memory_space<vmem>> -> memref<128xi32, #tpu.memory_space<vmem>>
    %dma_wait3A_141 = arith.constant 0 : i32
    %dma_wait3A_142 = arith.constant 0 : i32
    %dma_wait3A_143 = tpu.memref_slice %arg5[%dma_wait3A_141, %dma_wait3A_142] : memref<1000000x64xf32, #tpu.memory_space<hbm>> -> memref<1000000x64xf32, #tpu.memory_space<hbm>>
    tpu.wait_indirect_dma semaphore(%arg12 : memref<!tpu.dma_semaphore, #tpu.memory_space<semaphore_mem>>) src(%dma_wait3A_143 : memref<1000000x64xf32, #tpu.memory_space<hbm>>) dst(%dma_wait3A_137 : memref<128x64xf32, #tpu.memory_space<vmem>>)
    %dma_wait3A_144 = arith.constant 2 : i32
    %dma_wait3A_145 = arith.constant 256 : i32
    %dma_wait3A_146 = arith.constant 0 : i32
    %dma_wait3A_147 = tpu.memref_slice %arg9[%dma_wait3A_145, %dma_wait3A_146] : memref<512x64xf32, #tpu.memory_space<vmem>> -> memref<128x64xf32, #tpu.memory_space<vmem>>
    %dma_wait3A_148 = arith.constant 0 : i32
    %dma_wait3A_149 = tpu.memref_slice %arg7[%dma_wait3A_144, %dma_wait3A_148] : memref<4x128xi32, #tpu.memory_space<vmem>> -> memref<1x128xi32, #tpu.memory_space<vmem>>
    %dma_wait3A_150 = tpu.memref_squeeze %dma_wait3A_149 : memref<1x128xi32, #tpu.memory_space<vmem>> -> memref<128xi32, #tpu.memory_space<vmem>>
    %dma_wait3A_151 = arith.constant 0 : i32
    %dma_wait3A_152 = arith.constant 0 : i32
    %dma_wait3A_153 = tpu.memref_slice %arg4[%dma_wait3A_151, %dma_wait3A_152] : memref<1000000x64xf32, #tpu.memory_space<hbm>> -> memref<1000000x64xf32, #tpu.memory_space<hbm>>
    tpu.wait_indirect_dma semaphore(%arg12 : memref<!tpu.dma_semaphore, #tpu.memory_space<semaphore_mem>>) src(%dma_wait3A_153 : memref<1000000x64xf32, #tpu.memory_space<hbm>>) dst(%dma_wait3A_147 : memref<128x64xf32, #tpu.memory_space<vmem>>)
    %dma_wait3A_154 = arith.constant 2 : i32
    %dma_wait3A_155 = arith.constant 256 : i32
    %dma_wait3A_156 = arith.constant 0 : i32
    %dma_wait3A_157 = tpu.memref_slice %arg10[%dma_wait3A_155, %dma_wait3A_156] : memref<512x64xf32, #tpu.memory_space<vmem>> -> memref<128x64xf32, #tpu.memory_space<vmem>>
    %dma_wait3A_158 = arith.constant 0 : i32
    %dma_wait3A_159 = tpu.memref_slice %arg8[%dma_wait3A_154, %dma_wait3A_158] : memref<4x128xi32, #tpu.memory_space<vmem>> -> memref<1x128xi32, #tpu.memory_space<vmem>>
    %dma_wait3A_160 = tpu.memref_squeeze %dma_wait3A_159 : memref<1x128xi32, #tpu.memory_space<vmem>> -> memref<128xi32, #tpu.memory_space<vmem>>
    %dma_wait3A_161 = arith.constant 0 : i32
    %dma_wait3A_162 = arith.constant 0 : i32
    %dma_wait3A_163 = tpu.memref_slice %arg5[%dma_wait3A_161, %dma_wait3A_162] : memref<1000000x64xf32, #tpu.memory_space<hbm>> -> memref<1000000x64xf32, #tpu.memory_space<hbm>>
    tpu.wait_indirect_dma semaphore(%arg12 : memref<!tpu.dma_semaphore, #tpu.memory_space<semaphore_mem>>) src(%dma_wait3A_163 : memref<1000000x64xf32, #tpu.memory_space<hbm>>) dst(%dma_wait3A_157 : memref<128x64xf32, #tpu.memory_space<vmem>>)
    %dma_wait3A_164 = arith.constant 3 : i32
    %dma_wait3A_165 = arith.constant 384 : i32
    %dma_wait3A_166 = arith.constant 0 : i32
    %dma_wait3A_167 = tpu.memref_slice %arg9[%dma_wait3A_165, %dma_wait3A_166] : memref<512x64xf32, #tpu.memory_space<vmem>> -> memref<128x64xf32, #tpu.memory_space<vmem>>
    %dma_wait3A_168 = arith.constant 0 : i32
    %dma_wait3A_169 = tpu.memref_slice %arg7[%dma_wait3A_164, %dma_wait3A_168] : memref<4x128xi32, #tpu.memory_space<vmem>> -> memref<1x128xi32, #tpu.memory_space<vmem>>
    %dma_wait3A_170 = tpu.memref_squeeze %dma_wait3A_169 : memref<1x128xi32, #tpu.memory_space<vmem>> -> memref<128xi32, #tpu.memory_space<vmem>>
    %dma_wait3A_171 = arith.constant 0 : i32
    %dma_wait3A_172 = arith.constant 0 : i32
    %dma_wait3A_173 = tpu.memref_slice %arg4[%dma_wait3A_171, %dma_wait3A_172] : memref<1000000x64xf32, #tpu.memory_space<hbm>> -> memref<1000000x64xf32, #tpu.memory_space<hbm>>
    tpu.wait_indirect_dma semaphore(%arg12 : memref<!tpu.dma_semaphore, #tpu.memory_space<semaphore_mem>>) src(%dma_wait3A_173 : memref<1000000x64xf32, #tpu.memory_space<hbm>>) dst(%dma_wait3A_167 : memref<128x64xf32, #tpu.memory_space<vmem>>)
    %dma_wait3A_174 = arith.constant 3 : i32
    %dma_wait3A_175 = arith.constant 384 : i32
    %dma_wait3A_176 = arith.constant 0 : i32
    %dma_wait3A_177 = tpu.memref_slice %arg10[%dma_wait3A_175, %dma_wait3A_176] : memref<512x64xf32, #tpu.memory_space<vmem>> -> memref<128x64xf32, #tpu.memory_space<vmem>>
    %dma_wait3A_178 = arith.constant 0 : i32
    %dma_wait3A_179 = tpu.memref_slice %arg8[%dma_wait3A_174, %dma_wait3A_178] : memref<4x128xi32, #tpu.memory_space<vmem>> -> memref<1x128xi32, #tpu.memory_space<vmem>>
    %dma_wait3A_180 = tpu.memref_squeeze %dma_wait3A_179 : memref<1x128xi32, #tpu.memory_space<vmem>> -> memref<128xi32, #tpu.memory_space<vmem>>
    %dma_wait3A_181 = arith.constant 0 : i32
    %dma_wait3A_182 = arith.constant 0 : i32
    %dma_wait3A_183 = tpu.memref_slice %arg5[%dma_wait3A_181, %dma_wait3A_182] : memref<1000000x64xf32, #tpu.memory_space<hbm>> -> memref<1000000x64xf32, #tpu.memory_space<hbm>>
    tpu.wait_indirect_dma semaphore(%arg12 : memref<!tpu.dma_semaphore, #tpu.memory_space<semaphore_mem>>) src(%dma_wait3A_183 : memref<1000000x64xf32, #tpu.memory_space<hbm>>) dst(%dma_wait3A_177 : memref<128x64xf32, #tpu.memory_space<vmem>>)
    %iota3A = tpu.iota {dimensions = array<i32: 0>} : vector<16xi32>
    %scan3A = arith.constant 0 : i32
    %scan3A_184 = arith.constant 0 : i32
    %scan3A_185 = arith.constant 32 : i32
    %scan3A_186 = arith.addi %scan3A_184, %scan3A_185 : i32
    %scan3A_187 = arith.constant 1 : i32
    %scan3A_188 = scf.for %scan3A_190 = %scan3A_184 to %scan3A_186 step %scan3A_187 iter_args(%scan3A_191 = %scan3A) -> (i32)  : i32 {
      %broadcast_in_dim3A = arith.constant 0.000000e+00 : f32
      %broadcast_in_dim3A_192 = vector.broadcast %broadcast_in_dim3A : f32 to vector<16xf32>
      %mul3A_193 = arith.constant 16 : i32
      %mul3A_194 = arith.muli %scan3A_190, %mul3A_193 : i32
      %add3A_195 = arith.constant 0 : i32
      %add3A_196 = arith.addi %mul3A_194, %add3A_195 : i32
      %broadcast_in_dim3A_197 = arith.constant 0.000000e+00 : f32
      %broadcast_in_dim3A_198 = vector.broadcast %broadcast_in_dim3A_197 : f32 to vector<16xf32>
      %get3A = arith.index_cast %add3A_196 : i32 to index
      %get3A_199 = arith.constant 0 : index
      %get3A_200 = tpu.vector_load %arg9[%get3A, %get3A_199] {strides = array<i32>} : memref<512x64xf32, #tpu.memory_space<vmem>>, vector<16xf32>,
      %get3A_201 = arith.index_cast %add3A_196 : i32 to index
      %get3A_202 = arith.constant 0 : index
      %get3A_203 = tpu.vector_load %arg10[%get3A_201, %get3A_202] {strides = array<i32>} : memref<512x64xf32, #tpu.memory_space<vmem>>, vector<16xf32>,
      %mul3A_204 = arith.mulf %get3A_200, %get3A_203 : vector<16xf32>
      %add3A_205 = arith.addf %broadcast_in_dim3A_198, %mul3A_204 : vector<16xf32>
      %get3A_206 = arith.index_cast %add3A_196 : i32 to index
      %get3A_207 = arith.constant 16 : index
      %get3A_208 = tpu.vector_load %arg9[%get3A_206, %get3A_207] {strides = array<i32>} : memref<512x64xf32, #tpu.memory_space<vmem>>, vector<16xf32>,
      %get3A_209 = arith.index_cast %add3A_196 : i32 to index
      %get3A_210 = arith.constant 16 : index
      %get3A_211 = tpu.vector_load %arg10[%get3A_209, %get3A_210] {strides = array<i32>} : memref<512x64xf32, #tpu.memory_space<vmem>>, vector<16xf32>,
      %mul3A_212 = arith.mulf %get3A_208, %get3A_211 : vector<16xf32>
      %add3A_213 = arith.addf %add3A_205, %mul3A_212 : vector<16xf32>
      %get3A_214 = arith.index_cast %add3A_196 : i32 to index
      %get3A_215 = arith.constant 32 : index
      %get3A_216 = tpu.vector_load %arg9[%get3A_214, %get3A_215] {strides = array<i32>} : memref<512x64xf32, #tpu.memory_space<vmem>>, vector<16xf32>,
      %get3A_217 = arith.index_cast %add3A_196 : i32 to index
      %get3A_218 = arith.constant 32 : index
      %get3A_219 = tpu.vector_load %arg10[%get3A_217, %get3A_218] {strides = array<i32>} : memref<512x64xf32, #tpu.memory_space<vmem>>, vector<16xf32>,
      %mul3A_220 = arith.mulf %get3A_216, %get3A_219 : vector<16xf32>
      %add3A_221 = arith.addf %add3A_213, %mul3A_220 : vector<16xf32>
      %get3A_222 = arith.index_cast %add3A_196 : i32 to index
      %get3A_223 = arith.constant 48 : index
      %get3A_224 = tpu.vector_load %arg9[%get3A_222, %get3A_223] {strides = array<i32>} : memref<512x64xf32, #tpu.memory_space<vmem>>, vector<16xf32>,
      %get3A_225 = arith.index_cast %add3A_196 : i32 to index
      %get3A_226 = arith.constant 48 : index
      %get3A_227 = tpu.vector_load %arg10[%get3A_225, %get3A_226] {strides = array<i32>} : memref<512x64xf32, #tpu.memory_space<vmem>>, vector<16xf32>,
      %mul3A_228 = arith.mulf %get3A_224, %get3A_227 : vector<16xf32>
      %add3A_229 = arith.addf %add3A_221, %mul3A_228 : vector<16xf32>
      %eq3A = arith.constant 0 : i32
      %eq3A_230 = vector.broadcast %eq3A : i32 to vector<16xi32>
      %eq3A_231 = arith.cmpi eq, %iota3A, %eq3A_230 : vector<16xi32>
      %reduce_sum3A = arith.constant true
      %reduce_sum3A_232 = vector.broadcast %reduce_sum3A : i1 to vector<16xi1>
      %reduce_sum3A_233 = tpu.scan <sum>, %add3A_229 masked %reduce_sum3A_232 : vector<16xf32>, vector<16xi1> -> vector<16xf32>
      %reduce_sum3A_234 = vector.extract %reduce_sum3A_233[15] : f32 from vector<16xf32>
      %broadcast_in_dim3A_235 = vector.broadcast %reduce_sum3A_234 : f32 to vector<16xf32>
      %select_n3A = arith.select %eq3A_231, %broadcast_in_dim3A_235, %broadcast_in_dim3A_192 : vector<16xi1>, vector<16xf32>
      %mul3A_236 = arith.constant 16 : i32
      %mul3A_237 = arith.muli %scan3A_190, %mul3A_236 : i32
      %add3A_238 = arith.constant 1 : i32
      %add3A_239 = arith.addi %mul3A_237, %add3A_238 : i32
      %broadcast_in_dim3A_240 = arith.constant 0.000000e+00 : f32
      %broadcast_in_dim3A_241 = vector.broadcast %broadcast_in_dim3A_240 : f32 to vector<16xf32>
      %get3A_242 = arith.index_cast %add3A_239 : i32 to index
      %get3A_243 = arith.constant 0 : index
      %get3A_244 = tpu.vector_load %arg9[%get3A_242, %get3A_243] {strides = array<i32>} : memref<512x64xf32, #tpu.memory_space<vmem>>, vector<16xf32>,
      %get3A_245 = arith.index_cast %add3A_239 : i32 to index
      %get3A_246 = arith.constant 0 : index
      %get3A_247 = tpu.vector_load %arg10[%get3A_245, %get3A_246] {strides = array<i32>} : memref<512x64xf32, #tpu.memory_space<vmem>>, vector<16xf32>,
      %mul3A_248 = arith.mulf %get3A_244, %get3A_247 : vector<16xf32>
      %add3A_249 = arith.addf %broadcast_in_dim3A_241, %mul3A_248 : vector<16xf32>
      %get3A_250 = arith.index_cast %add3A_239 : i32 to index
      %get3A_251 = arith.constant 16 : index
      %get3A_252 = tpu.vector_load %arg9[%get3A_250, %get3A_251] {strides = array<i32>} : memref<512x64xf32, #tpu.memory_space<vmem>>, vector<16xf32>,
      %get3A_253 = arith.index_cast %add3A_239 : i32 to index
      %get3A_254 = arith.constant 16 : index
      %get3A_255 = tpu.vector_load %arg10[%get3A_253, %get3A_254] {strides = array<i32>} : memref<512x64xf32, #tpu.memory_space<vmem>>, vector<16xf32>,
      %mul3A_256 = arith.mulf %get3A_252, %get3A_255 : vector<16xf32>
      %add3A_257 = arith.addf %add3A_249, %mul3A_256 : vector<16xf32>
      %get3A_258 = arith.index_cast %add3A_239 : i32 to index
      %get3A_259 = arith.constant 32 : index
      %get3A_260 = tpu.vector_load %arg9[%get3A_258, %get3A_259] {strides = array<i32>} : memref<512x64xf32, #tpu.memory_space<vmem>>, vector<16xf32>,
      %get3A_261 = arith.index_cast %add3A_239 : i32 to index
      %get3A_262 = arith.constant 32 : index
      %get3A_263 = tpu.vector_load %arg10[%get3A_261, %get3A_262] {strides = array<i32>} : memref<512x64xf32, #tpu.memory_space<vmem>>, vector<16xf32>,
      %mul3A_264 = arith.mulf %get3A_260, %get3A_263 : vector<16xf32>
      %add3A_265 = arith.addf %add3A_257, %mul3A_264 : vector<16xf32>
      %get3A_266 = arith.index_cast %add3A_239 : i32 to index
      %get3A_267 = arith.constant 48 : index
      %get3A_268 = tpu.vector_load %arg9[%get3A_266, %get3A_267] {strides = array<i32>} : memref<512x64xf32, #tpu.memory_space<vmem>>, vector<16xf32>,
      %get3A_269 = arith.index_cast %add3A_239 : i32 to index
      %get3A_270 = arith.constant 48 : index
      %get3A_271 = tpu.vector_load %arg10[%get3A_269, %get3A_270] {strides = array<i32>} : memref<512x64xf32, #tpu.memory_space<vmem>>, vector<16xf32>,
      %mul3A_272 = arith.mulf %get3A_268, %get3A_271 : vector<16xf32>
      %add3A_273 = arith.addf %add3A_265, %mul3A_272 : vector<16xf32>
      %eq3A_274 = arith.constant 1 : i32
      %eq3A_275 = vector.broadcast %eq3A_274 : i32 to vector<16xi32>
      %eq3A_276 = arith.cmpi eq, %iota3A, %eq3A_275 : vector<16xi32>
      %reduce_sum3A_277 = arith.constant true
      %reduce_sum3A_278 = vector.broadcast %reduce_sum3A_277 : i1 to vector<16xi1>
      %reduce_sum3A_279 = tpu.scan <sum>, %add3A_273 masked %reduce_sum3A_278 : vector<16xf32>, vector<16xi1> -> vector<16xf32>
      %reduce_sum3A_280 = vector.extract %reduce_sum3A_279[15] : f32 from vector<16xf32>
      %broadcast_in_dim3A_281 = vector.broadcast %reduce_sum3A_280 : f32 to vector<16xf32>
      %select_n3A_282 = arith.select %eq3A_276, %broadcast_in_dim3A_281, %select_n3A : vector<16xi1>, vector<16xf32>
      %mul3A_283 = arith.constant 16 : i32
      %mul3A_284 = arith.muli %scan3A_190, %mul3A_283 : i32
      %add3A_285 = arith.constant 2 : i32
      %add3A_286 = arith.addi %mul3A_284, %add3A_285 : i32
      %broadcast_in_dim3A_287 = arith.constant 0.000000e+00 : f32
      %broadcast_in_dim3A_288 = vector.broadcast %broadcast_in_dim3A_287 : f32 to vector<16xf32>
      %get3A_289 = arith.index_cast %add3A_286 : i32 to index
      %get3A_290 = arith.constant 0 : index
      %get3A_291 = tpu.vector_load %arg9[%get3A_289, %get3A_290] {strides = array<i32>} : memref<512x64xf32, #tpu.memory_space<vmem>>, vector<16xf32>,
      %get3A_292 = arith.index_cast %add3A_286 : i32 to index
      %get3A_293 = arith.constant 0 : index
      %get3A_294 = tpu.vector_load %arg10[%get3A_292, %get3A_293] {strides = array<i32>} : memref<512x64xf32, #tpu.memory_space<vmem>>, vector<16xf32>,
      %mul3A_295 = arith.mulf %get3A_291, %get3A_294 : vector<16xf32>
      %add3A_296 = arith.addf %broadcast_in_dim3A_288, %mul3A_295 : vector<16xf32>
      %get3A_297 = arith.index_cast %add3A_286 : i32 to index
      %get3A_298 = arith.constant 16 : index
      %get3A_299 = tpu.vector_load %arg9[%get3A_297, %get3A_298] {strides = array<i32>} : memref<512x64xf32, #tpu.memory_space<vmem>>, vector<16xf32>,
      %get3A_300 = arith.index_cast %add3A_286 : i32 to index
      %get3A_301 = arith.constant 16 : index
      %get3A_302 = tpu.vector_load %arg10[%get3A_300, %get3A_301] {strides = array<i32>} : memref<512x64xf32, #tpu.memory_space<vmem>>, vector<16xf32>,
      %mul3A_303 = arith.mulf %get3A_299, %get3A_302 : vector<16xf32>
      %add3A_304 = arith.addf %add3A_296, %mul3A_303 : vector<16xf32>
      %get3A_305 = arith.index_cast %add3A_286 : i32 to index
      %get3A_306 = arith.constant 32 : index
      %get3A_307 = tpu.vector_load %arg9[%get3A_305, %get3A_306] {strides = array<i32>} : memref<512x64xf32, #tpu.memory_space<vmem>>, vector<16xf32>,
      %get3A_308 = arith.index_cast %add3A_286 : i32 to index
      %get3A_309 = arith.constant 32 : index
      %get3A_310 = tpu.vector_load %arg10[%get3A_308, %get3A_309] {strides = array<i32>} : memref<512x64xf32, #tpu.memory_space<vmem>>, vector<16xf32>,
      %mul3A_311 = arith.mulf %get3A_307, %get3A_310 : vector<16xf32>
      %add3A_312 = arith.addf %add3A_304, %mul3A_311 : vector<16xf32>
      %get3A_313 = arith.index_cast %add3A_286 : i32 to index
      %get3A_314 = arith.constant 48 : index
      %get3A_315 = tpu.vector_load %arg9[%get3A_313, %get3A_314] {strides = array<i32>} : memref<512x64xf32, #tpu.memory_space<vmem>>, vector<16xf32>,
      %get3A_316 = arith.index_cast %add3A_286 : i32 to index
      %get3A_317 = arith.constant 48 : index
      %get3A_318 = tpu.vector_load %arg10[%get3A_316, %get3A_317] {strides = array<i32>} : memref<512x64xf32, #tpu.memory_space<vmem>>, vector<16xf32>,
      %mul3A_319 = arith.mulf %get3A_315, %get3A_318 : vector<16xf32>
      %add3A_320 = arith.addf %add3A_312, %mul3A_319 : vector<16xf32>
      %eq3A_321 = arith.constant 2 : i32
      %eq3A_322 = vector.broadcast %eq3A_321 : i32 to vector<16xi32>
      %eq3A_323 = arith.cmpi eq, %iota3A, %eq3A_322 : vector<16xi32>
      %reduce_sum3A_324 = arith.constant true
      %reduce_sum3A_325 = vector.broadcast %reduce_sum3A_324 : i1 to vector<16xi1>
      %reduce_sum3A_326 = tpu.scan <sum>, %add3A_320 masked %reduce_sum3A_325 : vector<16xf32>, vector<16xi1> -> vector<16xf32>
      %reduce_sum3A_327 = vector.extract %reduce_sum3A_326[15] : f32 from vector<16xf32>
      %broadcast_in_dim3A_328 = vector.broadcast %reduce_sum3A_327 : f32 to vector<16xf32>
      %select_n3A_329 = arith.select %eq3A_323, %broadcast_in_dim3A_328, %select_n3A_282 : vector<16xi1>, vector<16xf32>
      %mul3A_330 = arith.constant 16 : i32
      %mul3A_331 = arith.muli %scan3A_190, %mul3A_330 : i32
      %add3A_332 = arith.constant 3 : i32
      %add3A_333 = arith.addi %mul3A_331, %add3A_332 : i32
      %broadcast_in_dim3A_334 = arith.constant 0.000000e+00 : f32
      %broadcast_in_dim3A_335 = vector.broadcast %broadcast_in_dim3A_334 : f32 to vector<16xf32>
      %get3A_336 = arith.index_cast %add3A_333 : i32 to index
      %get3A_337 = arith.constant 0 : index
      %get3A_338 = tpu.vector_load %arg9[%get3A_336, %get3A_337] {strides = array<i32>} : memref<512x64xf32, #tpu.memory_space<vmem>>, vector<16xf32>,
      %get3A_339 = arith.index_cast %add3A_333 : i32 to index
      %get3A_340 = arith.constant 0 : index
      %get3A_341 = tpu.vector_load %arg10[%get3A_339, %get3A_340] {strides = array<i32>} : memref<512x64xf32, #tpu.memory_space<vmem>>, vector<16xf32>,
      %mul3A_342 = arith.mulf %get3A_338, %get3A_341 : vector<16xf32>
      %add3A_343 = arith.addf %broadcast_in_dim3A_335, %mul3A_342 : vector<16xf32>
      %get3A_344 = arith.index_cast %add3A_333 : i32 to index
      %get3A_345 = arith.constant 16 : index
      %get3A_346 = tpu.vector_load %arg9[%get3A_344, %get3A_345] {strides = array<i32>} : memref<512x64xf32, #tpu.memory_space<vmem>>, vector<16xf32>,
      %get3A_347 = arith.index_cast %add3A_333 : i32 to index
      %get3A_348 = arith.constant 16 : index
      %get3A_349 = tpu.vector_load %arg10[%get3A_347, %get3A_348] {strides = array<i32>} : memref<512x64xf32, #tpu.memory_space<vmem>>, vector<16xf32>,
      %mul3A_350 = arith.mulf %get3A_346, %get3A_349 : vector<16xf32>
      %add3A_351 = arith.addf %add3A_343, %mul3A_350 : vector<16xf32>
      %get3A_352 = arith.index_cast %add3A_333 : i32 to index
      %get3A_353 = arith.constant 32 : index
      %get3A_354 = tpu.vector_load %arg9[%get3A_352, %get3A_353] {strides = array<i32>} : memref<512x64xf32, #tpu.memory_space<vmem>>, vector<16xf32>,
      %get3A_355 = arith.index_cast %add3A_333 : i32 to index
      %get3A_356 = arith.constant 32 : index
      %get3A_357 = tpu.vector_load %arg10[%get3A_355, %get3A_356] {strides = array<i32>} : memref<512x64xf32, #tpu.memory_space<vmem>>, vector<16xf32>,
      %mul3A_358 = arith.mulf %get3A_354, %get3A_357 : vector<16xf32>
      %add3A_359 = arith.addf %add3A_351, %mul3A_358 : vector<16xf32>
      %get3A_360 = arith.index_cast %add3A_333 : i32 to index
      %get3A_361 = arith.constant 48 : index
      %get3A_362 = tpu.vector_load %arg9[%get3A_360, %get3A_361] {strides = array<i32>} : memref<512x64xf32, #tpu.memory_space<vmem>>, vector<16xf32>,
      %get3A_363 = arith.index_cast %add3A_333 : i32 to index
      %get3A_364 = arith.constant 48 : index
      %get3A_365 = tpu.vector_load %arg10[%get3A_363, %get3A_364] {strides = array<i32>} : memref<512x64xf32, #tpu.memory_space<vmem>>, vector<16xf32>,
      %mul3A_366 = arith.mulf %get3A_362, %get3A_365 : vector<16xf32>
      %add3A_367 = arith.addf %add3A_359, %mul3A_366 : vector<16xf32>
      %eq3A_368 = arith.constant 3 : i32
      %eq3A_369 = vector.broadcast %eq3A_368 : i32 to vector<16xi32>
      %eq3A_370 = arith.cmpi eq, %iota3A, %eq3A_369 : vector<16xi32>
      %reduce_sum3A_371 = arith.constant true
      %reduce_sum3A_372 = vector.broadcast %reduce_sum3A_371 : i1 to vector<16xi1>
      %reduce_sum3A_373 = tpu.scan <sum>, %add3A_367 masked %reduce_sum3A_372 : vector<16xf32>, vector<16xi1> -> vector<16xf32>
      %reduce_sum3A_374 = vector.extract %reduce_sum3A_373[15] : f32 from vector<16xf32>
      %broadcast_in_dim3A_375 = vector.broadcast %reduce_sum3A_374 : f32 to vector<16xf32>
      %select_n3A_376 = arith.select %eq3A_370, %broadcast_in_dim3A_375, %select_n3A_329 : vector<16xi1>, vector<16xf32>
      %mul3A_377 = arith.constant 16 : i32
      %mul3A_378 = arith.muli %scan3A_190, %mul3A_377 : i32
      %add3A_379 = arith.constant 4 : i32
      %add3A_380 = arith.addi %mul3A_378, %add3A_379 : i32
      %broadcast_in_dim3A_381 = arith.constant 0.000000e+00 : f32
      %broadcast_in_dim3A_382 = vector.broadcast %broadcast_in_dim3A_381 : f32 to vector<16xf32>
      %get3A_383 = arith.index_cast %add3A_380 : i32 to index
      %get3A_384 = arith.constant 0 : index
      %get3A_385 = tpu.vector_load %arg9[%get3A_383, %get3A_384] {strides = array<i32>} : memref<512x64xf32, #tpu.memory_space<vmem>>, vector<16xf32>,
      %get3A_386 = arith.index_cast %add3A_380 : i32 to index
      %get3A_387 = arith.constant 0 : index
      %get3A_388 = tpu.vector_load %arg10[%get3A_386, %get3A_387] {strides = array<i32>} : memref<512x64xf32, #tpu.memory_space<vmem>>, vector<16xf32>,
      %mul3A_389 = arith.mulf %get3A_385, %get3A_388 : vector<16xf32>
      %add3A_390 = arith.addf %broadcast_in_dim3A_382, %mul3A_389 : vector<16xf32>
      %get3A_391 = arith.index_cast %add3A_380 : i32 to index
      %get3A_392 = arith.constant 16 : index
      %get3A_393 = tpu.vector_load %arg9[%get3A_391, %get3A_392] {strides = array<i32>} : memref<512x64xf32, #tpu.memory_space<vmem>>, vector<16xf32>,
      %get3A_394 = arith.index_cast %add3A_380 : i32 to index
      %get3A_395 = arith.constant 16 : index
      %get3A_396 = tpu.vector_load %arg10[%get3A_394, %get3A_395] {strides = array<i32>} : memref<512x64xf32, #tpu.memory_space<vmem>>, vector<16xf32>,
      %mul3A_397 = arith.mulf %get3A_393, %get3A_396 : vector<16xf32>
      %add3A_398 = arith.addf %add3A_390, %mul3A_397 : vector<16xf32>
      %get3A_399 = arith.index_cast %add3A_380 : i32 to index
      %get3A_400 = arith.constant 32 : index
      %get3A_401 = tpu.vector_load %arg9[%get3A_399, %get3A_400] {strides = array<i32>} : memref<512x64xf32, #tpu.memory_space<vmem>>, vector<16xf32>,
      %get3A_402 = arith.index_cast %add3A_380 : i32 to index
      %get3A_403 = arith.constant 32 : index
      %get3A_404 = tpu.vector_load %arg10[%get3A_402, %get3A_403] {strides = array<i32>} : memref<512x64xf32, #tpu.memory_space<vmem>>, vector<16xf32>,
      %mul3A_405 = arith.mulf %get3A_401, %get3A_404 : vector<16xf32>
      %add3A_406 = arith.addf %add3A_398, %mul3A_405 : vector<16xf32>
      %get3A_407 = arith.index_cast %add3A_380 : i32 to index
      %get3A_408 = arith.constant 48 : index
      %get3A_409 = tpu.vector_load %arg9[%get3A_407, %get3A_408] {strides = array<i32>} : memref<512x64xf32, #tpu.memory_space<vmem>>, vector<16xf32>,
      %get3A_410 = arith.index_cast %add3A_380 : i32 to index
      %get3A_411 = arith.constant 48 : index
      %get3A_412 = tpu.vector_load %arg10[%get3A_410, %get3A_411] {strides = array<i32>} : memref<512x64xf32, #tpu.memory_space<vmem>>, vector<16xf32>,
      %mul3A_413 = arith.mulf %get3A_409, %get3A_412 : vector<16xf32>
      %add3A_414 = arith.addf %add3A_406, %mul3A_413 : vector<16xf32>
      %eq3A_415 = arith.constant 4 : i32
      %eq3A_416 = vector.broadcast %eq3A_415 : i32 to vector<16xi32>
      %eq3A_417 = arith.cmpi eq, %iota3A, %eq3A_416 : vector<16xi32>
      %reduce_sum3A_418 = arith.constant true
      %reduce_sum3A_419 = vector.broadcast %reduce_sum3A_418 : i1 to vector<16xi1>
      %reduce_sum3A_420 = tpu.scan <sum>, %add3A_414 masked %reduce_sum3A_419 : vector<16xf32>, vector<16xi1> -> vector<16xf32>
      %reduce_sum3A_421 = vector.extract %reduce_sum3A_420[15] : f32 from vector<16xf32>
      %broadcast_in_dim3A_422 = vector.broadcast %reduce_sum3A_421 : f32 to vector<16xf32>
      %select_n3A_423 = arith.select %eq3A_417, %broadcast_in_dim3A_422, %select_n3A_376 : vector<16xi1>, vector<16xf32>
      %mul3A_424 = arith.constant 16 : i32
      %mul3A_425 = arith.muli %scan3A_190, %mul3A_424 : i32
      %add3A_426 = arith.constant 5 : i32
      %add3A_427 = arith.addi %mul3A_425, %add3A_426 : i32
      %broadcast_in_dim3A_428 = arith.constant 0.000000e+00 : f32
      %broadcast_in_dim3A_429 = vector.broadcast %broadcast_in_dim3A_428 : f32 to vector<16xf32>
      %get3A_430 = arith.index_cast %add3A_427 : i32 to index
      %get3A_431 = arith.constant 0 : index
      %get3A_432 = tpu.vector_load %arg9[%get3A_430, %get3A_431] {strides = array<i32>} : memref<512x64xf32, #tpu.memory_space<vmem>>, vector<16xf32>,
      %get3A_433 = arith.index_cast %add3A_427 : i32 to index
      %get3A_434 = arith.constant 0 : index
      %get3A_435 = tpu.vector_load %arg10[%get3A_433, %get3A_434] {strides = array<i32>} : memref<512x64xf32, #tpu.memory_space<vmem>>, vector<16xf32>,
      %mul3A_436 = arith.mulf %get3A_432, %get3A_435 : vector<16xf32>
      %add3A_437 = arith.addf %broadcast_in_dim3A_429, %mul3A_436 : vector<16xf32>
      %get3A_438 = arith.index_cast %add3A_427 : i32 to index
      %get3A_439 = arith.constant 16 : index
      %get3A_440 = tpu.vector_load %arg9[%get3A_438, %get3A_439] {strides = array<i32>} : memref<512x64xf32, #tpu.memory_space<vmem>>, vector<16xf32>,
      %get3A_441 = arith.index_cast %add3A_427 : i32 to index
      %get3A_442 = arith.constant 16 : index
      %get3A_443 = tpu.vector_load %arg10[%get3A_441, %get3A_442] {strides = array<i32>} : memref<512x64xf32, #tpu.memory_space<vmem>>, vector<16xf32>,
      %mul3A_444 = arith.mulf %get3A_440, %get3A_443 : vector<16xf32>
      %add3A_445 = arith.addf %add3A_437, %mul3A_444 : vector<16xf32>
      %get3A_446 = arith.index_cast %add3A_427 : i32 to index
      %get3A_447 = arith.constant 32 : index
      %get3A_448 = tpu.vector_load %arg9[%get3A_446, %get3A_447] {strides = array<i32>} : memref<512x64xf32, #tpu.memory_space<vmem>>, vector<16xf32>,
      %get3A_449 = arith.index_cast %add3A_427 : i32 to index
      %get3A_450 = arith.constant 32 : index
      %get3A_451 = tpu.vector_load %arg10[%get3A_449, %get3A_450] {strides = array<i32>} : memref<512x64xf32, #tpu.memory_space<vmem>>, vector<16xf32>,
      %mul3A_452 = arith.mulf %get3A_448, %get3A_451 : vector<16xf32>
      %add3A_453 = arith.addf %add3A_445, %mul3A_452 : vector<16xf32>
      %get3A_454 = arith.index_cast %add3A_427 : i32 to index
      %get3A_455 = arith.constant 48 : index
      %get3A_456 = tpu.vector_load %arg9[%get3A_454, %get3A_455] {strides = array<i32>} : memref<512x64xf32, #tpu.memory_space<vmem>>, vector<16xf32>,
      %get3A_457 = arith.index_cast %add3A_427 : i32 to index
      %get3A_458 = arith.constant 48 : index
      %get3A_459 = tpu.vector_load %arg10[%get3A_457, %get3A_458] {strides = array<i32>} : memref<512x64xf32, #tpu.memory_space<vmem>>, vector<16xf32>,
      %mul3A_460 = arith.mulf %get3A_456, %get3A_459 : vector<16xf32>
      %add3A_461 = arith.addf %add3A_453, %mul3A_460 : vector<16xf32>
      %eq3A_462 = arith.constant 5 : i32
      %eq3A_463 = vector.broadcast %eq3A_462 : i32 to vector<16xi32>
      %eq3A_464 = arith.cmpi eq, %iota3A, %eq3A_463 : vector<16xi32>
      %reduce_sum3A_465 = arith.constant true
      %reduce_sum3A_466 = vector.broadcast %reduce_sum3A_465 : i1 to vector<16xi1>
      %reduce_sum3A_467 = tpu.scan <sum>, %add3A_461 masked %reduce_sum3A_466 : vector<16xf32>, vector<16xi1> -> vector<16xf32>
      %reduce_sum3A_468 = vector.extract %reduce_sum3A_467[15] : f32 from vector<16xf32>
      %broadcast_in_dim3A_469 = vector.broadcast %reduce_sum3A_468 : f32 to vector<16xf32>
      %select_n3A_470 = arith.select %eq3A_464, %broadcast_in_dim3A_469, %select_n3A_423 : vector<16xi1>, vector<16xf32>
      %mul3A_471 = arith.constant 16 : i32
      %mul3A_472 = arith.muli %scan3A_190, %mul3A_471 : i32
      %add3A_473 = arith.constant 6 : i32
      %add3A_474 = arith.addi %mul3A_472, %add3A_473 : i32
      %broadcast_in_dim3A_475 = arith.constant 0.000000e+00 : f32
      %broadcast_in_dim3A_476 = vector.broadcast %broadcast_in_dim3A_475 : f32 to vector<16xf32>
      %get3A_477 = arith.index_cast %add3A_474 : i32 to index
      %get3A_478 = arith.constant 0 : index
      %get3A_479 = tpu.vector_load %arg9[%get3A_477, %get3A_478] {strides = array<i32>} : memref<512x64xf32, #tpu.memory_space<vmem>>, vector<16xf32>,
      %get3A_480 = arith.index_cast %add3A_474 : i32 to index
      %get3A_481 = arith.constant 0 : index
      %get3A_482 = tpu.vector_load %arg10[%get3A_480, %get3A_481] {strides = array<i32>} : memref<512x64xf32, #tpu.memory_space<vmem>>, vector<16xf32>,
      %mul3A_483 = arith.mulf %get3A_479, %get3A_482 : vector<16xf32>
      %add3A_484 = arith.addf %broadcast_in_dim3A_476, %mul3A_483 : vector<16xf32>
      %get3A_485 = arith.index_cast %add3A_474 : i32 to index
      %get3A_486 = arith.constant 16 : index
      %get3A_487 = tpu.vector_load %arg9[%get3A_485, %get3A_486] {strides = array<i32>} : memref<512x64xf32, #tpu.memory_space<vmem>>, vector<16xf32>,
      %get3A_488 = arith.index_cast %add3A_474 : i32 to index
      %get3A_489 = arith.constant 16 : index
      %get3A_490 = tpu.vector_load %arg10[%get3A_488, %get3A_489] {strides = array<i32>} : memref<512x64xf32, #tpu.memory_space<vmem>>, vector<16xf32>,
      %mul3A_491 = arith.mulf %get3A_487, %get3A_490 : vector<16xf32>
      %add3A_492 = arith.addf %add3A_484, %mul3A_491 : vector<16xf32>
      %get3A_493 = arith.index_cast %add3A_474 : i32 to index
      %get3A_494 = arith.constant 32 : index
      %get3A_495 = tpu.vector_load %arg9[%get3A_493, %get3A_494] {strides = array<i32>} : memref<512x64xf32, #tpu.memory_space<vmem>>, vector<16xf32>,
      %get3A_496 = arith.index_cast %add3A_474 : i32 to index
      %get3A_497 = arith.constant 32 : index
      %get3A_498 = tpu.vector_load %arg10[%get3A_496, %get3A_497] {strides = array<i32>} : memref<512x64xf32, #tpu.memory_space<vmem>>, vector<16xf32>,
      %mul3A_499 = arith.mulf %get3A_495, %get3A_498 : vector<16xf32>
      %add3A_500 = arith.addf %add3A_492, %mul3A_499 : vector<16xf32>
      %get3A_501 = arith.index_cast %add3A_474 : i32 to index
      %get3A_502 = arith.constant 48 : index
      %get3A_503 = tpu.vector_load %arg9[%get3A_501, %get3A_502] {strides = array<i32>} : memref<512x64xf32, #tpu.memory_space<vmem>>, vector<16xf32>,
      %get3A_504 = arith.index_cast %add3A_474 : i32 to index
      %get3A_505 = arith.constant 48 : index
      %get3A_506 = tpu.vector_load %arg10[%get3A_504, %get3A_505] {strides = array<i32>} : memref<512x64xf32, #tpu.memory_space<vmem>>, vector<16xf32>,
      %mul3A_507 = arith.mulf %get3A_503, %get3A_506 : vector<16xf32>
      %add3A_508 = arith.addf %add3A_500, %mul3A_507 : vector<16xf32>
      %eq3A_509 = arith.constant 6 : i32
      %eq3A_510 = vector.broadcast %eq3A_509 : i32 to vector<16xi32>
      %eq3A_511 = arith.cmpi eq, %iota3A, %eq3A_510 : vector<16xi32>
      %reduce_sum3A_512 = arith.constant true
      %reduce_sum3A_513 = vector.broadcast %reduce_sum3A_512 : i1 to vector<16xi1>
      %reduce_sum3A_514 = tpu.scan <sum>, %add3A_508 masked %reduce_sum3A_513 : vector<16xf32>, vector<16xi1> -> vector<16xf32>
      %reduce_sum3A_515 = vector.extract %reduce_sum3A_514[15] : f32 from vector<16xf32>
      %broadcast_in_dim3A_516 = vector.broadcast %reduce_sum3A_515 : f32 to vector<16xf32>
      %select_n3A_517 = arith.select %eq3A_511, %broadcast_in_dim3A_516, %select_n3A_470 : vector<16xi1>, vector<16xf32>
      %mul3A_518 = arith.constant 16 : i32
      %mul3A_519 = arith.muli %scan3A_190, %mul3A_518 : i32
      %add3A_520 = arith.constant 7 : i32
      %add3A_521 = arith.addi %mul3A_519, %add3A_520 : i32
      %broadcast_in_dim3A_522 = arith.constant 0.000000e+00 : f32
      %broadcast_in_dim3A_523 = vector.broadcast %broadcast_in_dim3A_522 : f32 to vector<16xf32>
      %get3A_524 = arith.index_cast %add3A_521 : i32 to index
      %get3A_525 = arith.constant 0 : index
      %get3A_526 = tpu.vector_load %arg9[%get3A_524, %get3A_525] {strides = array<i32>} : memref<512x64xf32, #tpu.memory_space<vmem>>, vector<16xf32>,
      %get3A_527 = arith.index_cast %add3A_521 : i32 to index
      %get3A_528 = arith.constant 0 : index
      %get3A_529 = tpu.vector_load %arg10[%get3A_527, %get3A_528] {strides = array<i32>} : memref<512x64xf32, #tpu.memory_space<vmem>>, vector<16xf32>,
      %mul3A_530 = arith.mulf %get3A_526, %get3A_529 : vector<16xf32>
      %add3A_531 = arith.addf %broadcast_in_dim3A_523, %mul3A_530 : vector<16xf32>
      %get3A_532 = arith.index_cast %add3A_521 : i32 to index
      %get3A_533 = arith.constant 16 : index
      %get3A_534 = tpu.vector_load %arg9[%get3A_532, %get3A_533] {strides = array<i32>} : memref<512x64xf32, #tpu.memory_space<vmem>>, vector<16xf32>,
      %get3A_535 = arith.index_cast %add3A_521 : i32 to index
      %get3A_536 = arith.constant 16 : index
      %get3A_537 = tpu.vector_load %arg10[%get3A_535, %get3A_536] {strides = array<i32>} : memref<512x64xf32, #tpu.memory_space<vmem>>, vector<16xf32>,
      %mul3A_538 = arith.mulf %get3A_534, %get3A_537 : vector<16xf32>
      %add3A_539 = arith.addf %add3A_531, %mul3A_538 : vector<16xf32>
      %get3A_540 = arith.index_cast %add3A_521 : i32 to index
      %get3A_541 = arith.constant 32 : index
      %get3A_542 = tpu.vector_load %arg9[%get3A_540, %get3A_541] {strides = array<i32>} : memref<512x64xf32, #tpu.memory_space<vmem>>, vector<16xf32>,
      %get3A_543 = arith.index_cast %add3A_521 : i32 to index
      %get3A_544 = arith.constant 32 : index
      %get3A_545 = tpu.vector_load %arg10[%get3A_543, %get3A_544] {strides = array<i32>} : memref<512x64xf32, #tpu.memory_space<vmem>>, vector<16xf32>,
      %mul3A_546 = arith.mulf %get3A_542, %get3A_545 : vector<16xf32>
      %add3A_547 = arith.addf %add3A_539, %mul3A_546 : vector<16xf32>
      %get3A_548 = arith.index_cast %add3A_521 : i32 to index
      %get3A_549 = arith.constant 48 : index
      %get3A_550 = tpu.vector_load %arg9[%get3A_548, %get3A_549] {strides = array<i32>} : memref<512x64xf32, #tpu.memory_space<vmem>>, vector<16xf32>,
      %get3A_551 = arith.index_cast %add3A_521 : i32 to index
      %get3A_552 = arith.constant 48 : index
      %get3A_553 = tpu.vector_load %arg10[%get3A_551, %get3A_552] {strides = array<i32>} : memref<512x64xf32, #tpu.memory_space<vmem>>, vector<16xf32>,
      %mul3A_554 = arith.mulf %get3A_550, %get3A_553 : vector<16xf32>
      %add3A_555 = arith.addf %add3A_547, %mul3A_554 : vector<16xf32>
      %eq3A_556 = arith.constant 7 : i32
      %eq3A_557 = vector.broadcast %eq3A_556 : i32 to vector<16xi32>
      %eq3A_558 = arith.cmpi eq, %iota3A, %eq3A_557 : vector<16xi32>
      %reduce_sum3A_559 = arith.constant true
      %reduce_sum3A_560 = vector.broadcast %reduce_sum3A_559 : i1 to vector<16xi1>
      %reduce_sum3A_561 = tpu.scan <sum>, %add3A_555 masked %reduce_sum3A_560 : vector<16xf32>, vector<16xi1> -> vector<16xf32>
      %reduce_sum3A_562 = vector.extract %reduce_sum3A_561[15] : f32 from vector<16xf32>
      %broadcast_in_dim3A_563 = vector.broadcast %reduce_sum3A_562 : f32 to vector<16xf32>
      %select_n3A_564 = arith.select %eq3A_558, %broadcast_in_dim3A_563, %select_n3A_517 : vector<16xi1>, vector<16xf32>
      %mul3A_565 = arith.constant 16 : i32
      %mul3A_566 = arith.muli %scan3A_190, %mul3A_565 : i32
      %add3A_567 = arith.constant 8 : i32
      %add3A_568 = arith.addi %mul3A_566, %add3A_567 : i32
      %broadcast_in_dim3A_569 = arith.constant 0.000000e+00 : f32
      %broadcast_in_dim3A_570 = vector.broadcast %broadcast_in_dim3A_569 : f32 to vector<16xf32>
      %get3A_571 = arith.index_cast %add3A_568 : i32 to index
      %get3A_572 = arith.constant 0 : index
      %get3A_573 = tpu.vector_load %arg9[%get3A_571, %get3A_572] {strides = array<i32>} : memref<512x64xf32, #tpu.memory_space<vmem>>, vector<16xf32>,
      %get3A_574 = arith.index_cast %add3A_568 : i32 to index
      %get3A_575 = arith.constant 0 : index
      %get3A_576 = tpu.vector_load %arg10[%get3A_574, %get3A_575] {strides = array<i32>} : memref<512x64xf32, #tpu.memory_space<vmem>>, vector<16xf32>,
      %mul3A_577 = arith.mulf %get3A_573, %get3A_576 : vector<16xf32>
      %add3A_578 = arith.addf %broadcast_in_dim3A_570, %mul3A_577 : vector<16xf32>
      %get3A_579 = arith.index_cast %add3A_568 : i32 to index
      %get3A_580 = arith.constant 16 : index
      %get3A_581 = tpu.vector_load %arg9[%get3A_579, %get3A_580] {strides = array<i32>} : memref<512x64xf32, #tpu.memory_space<vmem>>, vector<16xf32>,
      %get3A_582 = arith.index_cast %add3A_568 : i32 to index
      %get3A_583 = arith.constant 16 : index
      %get3A_584 = tpu.vector_load %arg10[%get3A_582, %get3A_583] {strides = array<i32>} : memref<512x64xf32, #tpu.memory_space<vmem>>, vector<16xf32>,
      %mul3A_585 = arith.mulf %get3A_581, %get3A_584 : vector<16xf32>
      %add3A_586 = arith.addf %add3A_578, %mul3A_585 : vector<16xf32>
      %get3A_587 = arith.index_cast %add3A_568 : i32 to index
      %get3A_588 = arith.constant 32 : index
      %get3A_589 = tpu.vector_load %arg9[%get3A_587, %get3A_588] {strides = array<i32>} : memref<512x64xf32, #tpu.memory_space<vmem>>, vector<16xf32>,
      %get3A_590 = arith.index_cast %add3A_568 : i32 to index
      %get3A_591 = arith.constant 32 : index
      %get3A_592 = tpu.vector_load %arg10[%get3A_590, %get3A_591] {strides = array<i32>} : memref<512x64xf32, #tpu.memory_space<vmem>>, vector<16xf32>,
      %mul3A_593 = arith.mulf %get3A_589, %get3A_592 : vector<16xf32>
      %add3A_594 = arith.addf %add3A_586, %mul3A_593 : vector<16xf32>
      %get3A_595 = arith.index_cast %add3A_568 : i32 to index
      %get3A_596 = arith.constant 48 : index
      %get3A_597 = tpu.vector_load %arg9[%get3A_595, %get3A_596] {strides = array<i32>} : memref<512x64xf32, #tpu.memory_space<vmem>>, vector<16xf32>,
      %get3A_598 = arith.index_cast %add3A_568 : i32 to index
      %get3A_599 = arith.constant 48 : index
      %get3A_600 = tpu.vector_load %arg10[%get3A_598, %get3A_599] {strides = array<i32>} : memref<512x64xf32, #tpu.memory_space<vmem>>, vector<16xf32>,
      %mul3A_601 = arith.mulf %get3A_597, %get3A_600 : vector<16xf32>
      %add3A_602 = arith.addf %add3A_594, %mul3A_601 : vector<16xf32>
      %eq3A_603 = arith.constant 8 : i32
      %eq3A_604 = vector.broadcast %eq3A_603 : i32 to vector<16xi32>
      %eq3A_605 = arith.cmpi eq, %iota3A, %eq3A_604 : vector<16xi32>
      %reduce_sum3A_606 = arith.constant true
      %reduce_sum3A_607 = vector.broadcast %reduce_sum3A_606 : i1 to vector<16xi1>
      %reduce_sum3A_608 = tpu.scan <sum>, %add3A_602 masked %reduce_sum3A_607 : vector<16xf32>, vector<16xi1> -> vector<16xf32>
      %reduce_sum3A_609 = vector.extract %reduce_sum3A_608[15] : f32 from vector<16xf32>
      %broadcast_in_dim3A_610 = vector.broadcast %reduce_sum3A_609 : f32 to vector<16xf32>
      %select_n3A_611 = arith.select %eq3A_605, %broadcast_in_dim3A_610, %select_n3A_564 : vector<16xi1>, vector<16xf32>
      %mul3A_612 = arith.constant 16 : i32
      %mul3A_613 = arith.muli %scan3A_190, %mul3A_612 : i32
      %add3A_614 = arith.constant 9 : i32
      %add3A_615 = arith.addi %mul3A_613, %add3A_614 : i32
      %broadcast_in_dim3A_616 = arith.constant 0.000000e+00 : f32
      %broadcast_in_dim3A_617 = vector.broadcast %broadcast_in_dim3A_616 : f32 to vector<16xf32>
      %get3A_618 = arith.index_cast %add3A_615 : i32 to index
      %get3A_619 = arith.constant 0 : index
      %get3A_620 = tpu.vector_load %arg9[%get3A_618, %get3A_619] {strides = array<i32>} : memref<512x64xf32, #tpu.memory_space<vmem>>, vector<16xf32>,
      %get3A_621 = arith.index_cast %add3A_615 : i32 to index
      %get3A_622 = arith.constant 0 : index
      %get3A_623 = tpu.vector_load %arg10[%get3A_621, %get3A_622] {strides = array<i32>} : memref<512x64xf32, #tpu.memory_space<vmem>>, vector<16xf32>,
      %mul3A_624 = arith.mulf %get3A_620, %get3A_623 : vector<16xf32>
      %add3A_625 = arith.addf %broadcast_in_dim3A_617, %mul3A_624 : vector<16xf32>
      %get3A_626 = arith.index_cast %add3A_615 : i32 to index
      %get3A_627 = arith.constant 16 : index
      %get3A_628 = tpu.vector_load %arg9[%get3A_626, %get3A_627] {strides = array<i32>} : memref<512x64xf32, #tpu.memory_space<vmem>>, vector<16xf32>,
      %get3A_629 = arith.index_cast %add3A_615 : i32 to index
      %get3A_630 = arith.constant 16 : index
      %get3A_631 = tpu.vector_load %arg10[%get3A_629, %get3A_630] {strides = array<i32>} : memref<512x64xf32, #tpu.memory_space<vmem>>, vector<16xf32>,
      %mul3A_632 = arith.mulf %get3A_628, %get3A_631 : vector<16xf32>
      %add3A_633 = arith.addf %add3A_625, %mul3A_632 : vector<16xf32>
      %get3A_634 = arith.index_cast %add3A_615 : i32 to index
      %get3A_635 = arith.constant 32 : index
      %get3A_636 = tpu.vector_load %arg9[%get3A_634, %get3A_635] {strides = array<i32>} : memref<512x64xf32, #tpu.memory_space<vmem>>, vector<16xf32>,
      %get3A_637 = arith.index_cast %add3A_615 : i32 to index
      %get3A_638 = arith.constant 32 : index
      %get3A_639 = tpu.vector_load %arg10[%get3A_637, %get3A_638] {strides = array<i32>} : memref<512x64xf32, #tpu.memory_space<vmem>>, vector<16xf32>,
      %mul3A_640 = arith.mulf %get3A_636, %get3A_639 : vector<16xf32>
      %add3A_641 = arith.addf %add3A_633, %mul3A_640 : vector<16xf32>
      %get3A_642 = arith.index_cast %add3A_615 : i32 to index
      %get3A_643 = arith.constant 48 : index
      %get3A_644 = tpu.vector_load %arg9[%get3A_642, %get3A_643] {strides = array<i32>} : memref<512x64xf32, #tpu.memory_space<vmem>>, vector<16xf32>,
      %get3A_645 = arith.index_cast %add3A_615 : i32 to index
      %get3A_646 = arith.constant 48 : index
      %get3A_647 = tpu.vector_load %arg10[%get3A_645, %get3A_646] {strides = array<i32>} : memref<512x64xf32, #tpu.memory_space<vmem>>, vector<16xf32>,
      %mul3A_648 = arith.mulf %get3A_644, %get3A_647 : vector<16xf32>
      %add3A_649 = arith.addf %add3A_641, %mul3A_648 : vector<16xf32>
      %eq3A_650 = arith.constant 9 : i32
      %eq3A_651 = vector.broadcast %eq3A_650 : i32 to vector<16xi32>
      %eq3A_652 = arith.cmpi eq, %iota3A, %eq3A_651 : vector<16xi32>
      %reduce_sum3A_653 = arith.constant true
      %reduce_sum3A_654 = vector.broadcast %reduce_sum3A_653 : i1 to vector<16xi1>
      %reduce_sum3A_655 = tpu.scan <sum>, %add3A_649 masked %reduce_sum3A_654 : vector<16xf32>, vector<16xi1> -> vector<16xf32>
      %reduce_sum3A_656 = vector.extract %reduce_sum3A_655[15] : f32 from vector<16xf32>
      %broadcast_in_dim3A_657 = vector.broadcast %reduce_sum3A_656 : f32 to vector<16xf32>
      %select_n3A_658 = arith.select %eq3A_652, %broadcast_in_dim3A_657, %select_n3A_611 : vector<16xi1>, vector<16xf32>
      %mul3A_659 = arith.constant 16 : i32
      %mul3A_660 = arith.muli %scan3A_190, %mul3A_659 : i32
      %add3A_661 = arith.constant 10 : i32
      %add3A_662 = arith.addi %mul3A_660, %add3A_661 : i32
      %broadcast_in_dim3A_663 = arith.constant 0.000000e+00 : f32
      %broadcast_in_dim3A_664 = vector.broadcast %broadcast_in_dim3A_663 : f32 to vector<16xf32>
      %get3A_665 = arith.index_cast %add3A_662 : i32 to index
      %get3A_666 = arith.constant 0 : index
      %get3A_667 = tpu.vector_load %arg9[%get3A_665, %get3A_666] {strides = array<i32>} : memref<512x64xf32, #tpu.memory_space<vmem>>, vector<16xf32>,
      %get3A_668 = arith.index_cast %add3A_662 : i32 to index
      %get3A_669 = arith.constant 0 : index
      %get3A_670 = tpu.vector_load %arg10[%get3A_668, %get3A_669] {strides = array<i32>} : memref<512x64xf32, #tpu.memory_space<vmem>>, vector<16xf32>,
      %mul3A_671 = arith.mulf %get3A_667, %get3A_670 : vector<16xf32>
      %add3A_672 = arith.addf %broadcast_in_dim3A_664, %mul3A_671 : vector<16xf32>
      %get3A_673 = arith.index_cast %add3A_662 : i32 to index
      %get3A_674 = arith.constant 16 : index
      %get3A_675 = tpu.vector_load %arg9[%get3A_673, %get3A_674] {strides = array<i32>} : memref<512x64xf32, #tpu.memory_space<vmem>>, vector<16xf32>,
      %get3A_676 = arith.index_cast %add3A_662 : i32 to index
      %get3A_677 = arith.constant 16 : index
      %get3A_678 = tpu.vector_load %arg10[%get3A_676, %get3A_677] {strides = array<i32>} : memref<512x64xf32, #tpu.memory_space<vmem>>, vector<16xf32>,
      %mul3A_679 = arith.mulf %get3A_675, %get3A_678 : vector<16xf32>
      %add3A_680 = arith.addf %add3A_672, %mul3A_679 : vector<16xf32>
      %get3A_681 = arith.index_cast %add3A_662 : i32 to index
      %get3A_682 = arith.constant 32 : index
      %get3A_683 = tpu.vector_load %arg9[%get3A_681, %get3A_682] {strides = array<i32>} : memref<512x64xf32, #tpu.memory_space<vmem>>, vector<16xf32>,
      %get3A_684 = arith.index_cast %add3A_662 : i32 to index
      %get3A_685 = arith.constant 32 : index
      %get3A_686 = tpu.vector_load %arg10[%get3A_684, %get3A_685] {strides = array<i32>} : memref<512x64xf32, #tpu.memory_space<vmem>>, vector<16xf32>,
      %mul3A_687 = arith.mulf %get3A_683, %get3A_686 : vector<16xf32>
      %add3A_688 = arith.addf %add3A_680, %mul3A_687 : vector<16xf32>
      %get3A_689 = arith.index_cast %add3A_662 : i32 to index
      %get3A_690 = arith.constant 48 : index
      %get3A_691 = tpu.vector_load %arg9[%get3A_689, %get3A_690] {strides = array<i32>} : memref<512x64xf32, #tpu.memory_space<vmem>>, vector<16xf32>,
      %get3A_692 = arith.index_cast %add3A_662 : i32 to index
      %get3A_693 = arith.constant 48 : index
      %get3A_694 = tpu.vector_load %arg10[%get3A_692, %get3A_693] {strides = array<i32>} : memref<512x64xf32, #tpu.memory_space<vmem>>, vector<16xf32>,
      %mul3A_695 = arith.mulf %get3A_691, %get3A_694 : vector<16xf32>
      %add3A_696 = arith.addf %add3A_688, %mul3A_695 : vector<16xf32>
      %eq3A_697 = arith.constant 10 : i32
      %eq3A_698 = vector.broadcast %eq3A_697 : i32 to vector<16xi32>
      %eq3A_699 = arith.cmpi eq, %iota3A, %eq3A_698 : vector<16xi32>
      %reduce_sum3A_700 = arith.constant true
      %reduce_sum3A_701 = vector.broadcast %reduce_sum3A_700 : i1 to vector<16xi1>
      %reduce_sum3A_702 = tpu.scan <sum>, %add3A_696 masked %reduce_sum3A_701 : vector<16xf32>, vector<16xi1> -> vector<16xf32>
      %reduce_sum3A_703 = vector.extract %reduce_sum3A_702[15] : f32 from vector<16xf32>
      %broadcast_in_dim3A_704 = vector.broadcast %reduce_sum3A_703 : f32 to vector<16xf32>
      %select_n3A_705 = arith.select %eq3A_699, %broadcast_in_dim3A_704, %select_n3A_658 : vector<16xi1>, vector<16xf32>
      %mul3A_706 = arith.constant 16 : i32
      %mul3A_707 = arith.muli %scan3A_190, %mul3A_706 : i32
      %add3A_708 = arith.constant 11 : i32
      %add3A_709 = arith.addi %mul3A_707, %add3A_708 : i32
      %broadcast_in_dim3A_710 = arith.constant 0.000000e+00 : f32
      %broadcast_in_dim3A_711 = vector.broadcast %broadcast_in_dim3A_710 : f32 to vector<16xf32>
      %get3A_712 = arith.index_cast %add3A_709 : i32 to index
      %get3A_713 = arith.constant 0 : index
      %get3A_714 = tpu.vector_load %arg9[%get3A_712, %get3A_713] {strides = array<i32>} : memref<512x64xf32, #tpu.memory_space<vmem>>, vector<16xf32>,
      %get3A_715 = arith.index_cast %add3A_709 : i32 to index
      %get3A_716 = arith.constant 0 : index
      %get3A_717 = tpu.vector_load %arg10[%get3A_715, %get3A_716] {strides = array<i32>} : memref<512x64xf32, #tpu.memory_space<vmem>>, vector<16xf32>,
      %mul3A_718 = arith.mulf %get3A_714, %get3A_717 : vector<16xf32>
      %add3A_719 = arith.addf %broadcast_in_dim3A_711, %mul3A_718 : vector<16xf32>
      %get3A_720 = arith.index_cast %add3A_709 : i32 to index
      %get3A_721 = arith.constant 16 : index
      %get3A_722 = tpu.vector_load %arg9[%get3A_720, %get3A_721] {strides = array<i32>} : memref<512x64xf32, #tpu.memory_space<vmem>>, vector<16xf32>,
      %get3A_723 = arith.index_cast %add3A_709 : i32 to index
      %get3A_724 = arith.constant 16 : index
      %get3A_725 = tpu.vector_load %arg10[%get3A_723, %get3A_724] {strides = array<i32>} : memref<512x64xf32, #tpu.memory_space<vmem>>, vector<16xf32>,
      %mul3A_726 = arith.mulf %get3A_722, %get3A_725 : vector<16xf32>
      %add3A_727 = arith.addf %add3A_719, %mul3A_726 : vector<16xf32>
      %get3A_728 = arith.index_cast %add3A_709 : i32 to index
      %get3A_729 = arith.constant 32 : index
      %get3A_730 = tpu.vector_load %arg9[%get3A_728, %get3A_729] {strides = array<i32>} : memref<512x64xf32, #tpu.memory_space<vmem>>, vector<16xf32>,
      %get3A_731 = arith.index_cast %add3A_709 : i32 to index
      %get3A_732 = arith.constant 32 : index
      %get3A_733 = tpu.vector_load %arg10[%get3A_731, %get3A_732] {strides = array<i32>} : memref<512x64xf32, #tpu.memory_space<vmem>>, vector<16xf32>,
      %mul3A_734 = arith.mulf %get3A_730, %get3A_733 : vector<16xf32>
      %add3A_735 = arith.addf %add3A_727, %mul3A_734 : vector<16xf32>
      %get3A_736 = arith.index_cast %add3A_709 : i32 to index
      %get3A_737 = arith.constant 48 : index
      %get3A_738 = tpu.vector_load %arg9[%get3A_736, %get3A_737] {strides = array<i32>} : memref<512x64xf32, #tpu.memory_space<vmem>>, vector<16xf32>,
      %get3A_739 = arith.index_cast %add3A_709 : i32 to index
      %get3A_740 = arith.constant 48 : index
      %get3A_741 = tpu.vector_load %arg10[%get3A_739, %get3A_740] {strides = array<i32>} : memref<512x64xf32, #tpu.memory_space<vmem>>, vector<16xf32>,
      %mul3A_742 = arith.mulf %get3A_738, %get3A_741 : vector<16xf32>
      %add3A_743 = arith.addf %add3A_735, %mul3A_742 : vector<16xf32>
      %eq3A_744 = arith.constant 11 : i32
      %eq3A_745 = vector.broadcast %eq3A_744 : i32 to vector<16xi32>
      %eq3A_746 = arith.cmpi eq, %iota3A, %eq3A_745 : vector<16xi32>
      %reduce_sum3A_747 = arith.constant true
      %reduce_sum3A_748 = vector.broadcast %reduce_sum3A_747 : i1 to vector<16xi1>
      %reduce_sum3A_749 = tpu.scan <sum>, %add3A_743 masked %reduce_sum3A_748 : vector<16xf32>, vector<16xi1> -> vector<16xf32>
      %reduce_sum3A_750 = vector.extract %reduce_sum3A_749[15] : f32 from vector<16xf32>
      %broadcast_in_dim3A_751 = vector.broadcast %reduce_sum3A_750 : f32 to vector<16xf32>
      %select_n3A_752 = arith.select %eq3A_746, %broadcast_in_dim3A_751, %select_n3A_705 : vector<16xi1>, vector<16xf32>
      %mul3A_753 = arith.constant 16 : i32
      %mul3A_754 = arith.muli %scan3A_190, %mul3A_753 : i32
      %add3A_755 = arith.constant 12 : i32
      %add3A_756 = arith.addi %mul3A_754, %add3A_755 : i32
      %broadcast_in_dim3A_757 = arith.constant 0.000000e+00 : f32
      %broadcast_in_dim3A_758 = vector.broadcast %broadcast_in_dim3A_757 : f32 to vector<16xf32>
      %get3A_759 = arith.index_cast %add3A_756 : i32 to index
      %get3A_760 = arith.constant 0 : index
      %get3A_761 = tpu.vector_load %arg9[%get3A_759, %get3A_760] {strides = array<i32>} : memref<512x64xf32, #tpu.memory_space<vmem>>, vector<16xf32>,
      %get3A_762 = arith.index_cast %add3A_756 : i32 to index
      %get3A_763 = arith.constant 0 : index
      %get3A_764 = tpu.vector_load %arg10[%get3A_762, %get3A_763] {strides = array<i32>} : memref<512x64xf32, #tpu.memory_space<vmem>>, vector<16xf32>,
      %mul3A_765 = arith.mulf %get3A_761, %get3A_764 : vector<16xf32>
      %add3A_766 = arith.addf %broadcast_in_dim3A_758, %mul3A_765 : vector<16xf32>
      %get3A_767 = arith.index_cast %add3A_756 : i32 to index
      %get3A_768 = arith.constant 16 : index
      %get3A_769 = tpu.vector_load %arg9[%get3A_767, %get3A_768] {strides = array<i32>} : memref<512x64xf32, #tpu.memory_space<vmem>>, vector<16xf32>,
      %get3A_770 = arith.index_cast %add3A_756 : i32 to index
      %get3A_771 = arith.constant 16 : index
      %get3A_772 = tpu.vector_load %arg10[%get3A_770, %get3A_771] {strides = array<i32>} : memref<512x64xf32, #tpu.memory_space<vmem>>, vector<16xf32>,
      %mul3A_773 = arith.mulf %get3A_769, %get3A_772 : vector<16xf32>
      %add3A_774 = arith.addf %add3A_766, %mul3A_773 : vector<16xf32>
      %get3A_775 = arith.index_cast %add3A_756 : i32 to index
      %get3A_776 = arith.constant 32 : index
      %get3A_777 = tpu.vector_load %arg9[%get3A_775, %get3A_776] {strides = array<i32>} : memref<512x64xf32, #tpu.memory_space<vmem>>, vector<16xf32>,
      %get3A_778 = arith.index_cast %add3A_756 : i32 to index
      %get3A_779 = arith.constant 32 : index
      %get3A_780 = tpu.vector_load %arg10[%get3A_778, %get3A_779] {strides = array<i32>} : memref<512x64xf32, #tpu.memory_space<vmem>>, vector<16xf32>,
      %mul3A_781 = arith.mulf %get3A_777, %get3A_780 : vector<16xf32>
      %add3A_782 = arith.addf %add3A_774, %mul3A_781 : vector<16xf32>
      %get3A_783 = arith.index_cast %add3A_756 : i32 to index
      %get3A_784 = arith.constant 48 : index
      %get3A_785 = tpu.vector_load %arg9[%get3A_783, %get3A_784] {strides = array<i32>} : memref<512x64xf32, #tpu.memory_space<vmem>>, vector<16xf32>,
      %get3A_786 = arith.index_cast %add3A_756 : i32 to index
      %get3A_787 = arith.constant 48 : index
      %get3A_788 = tpu.vector_load %arg10[%get3A_786, %get3A_787] {strides = array<i32>} : memref<512x64xf32, #tpu.memory_space<vmem>>, vector<16xf32>,
      %mul3A_789 = arith.mulf %get3A_785, %get3A_788 : vector<16xf32>
      %add3A_790 = arith.addf %add3A_782, %mul3A_789 : vector<16xf32>
      %eq3A_791 = arith.constant 12 : i32
      %eq3A_792 = vector.broadcast %eq3A_791 : i32 to vector<16xi32>
      %eq3A_793 = arith.cmpi eq, %iota3A, %eq3A_792 : vector<16xi32>
      %reduce_sum3A_794 = arith.constant true
      %reduce_sum3A_795 = vector.broadcast %reduce_sum3A_794 : i1 to vector<16xi1>
      %reduce_sum3A_796 = tpu.scan <sum>, %add3A_790 masked %reduce_sum3A_795 : vector<16xf32>, vector<16xi1> -> vector<16xf32>
      %reduce_sum3A_797 = vector.extract %reduce_sum3A_796[15] : f32 from vector<16xf32>
      %broadcast_in_dim3A_798 = vector.broadcast %reduce_sum3A_797 : f32 to vector<16xf32>
      %select_n3A_799 = arith.select %eq3A_793, %broadcast_in_dim3A_798, %select_n3A_752 : vector<16xi1>, vector<16xf32>
      %mul3A_800 = arith.constant 16 : i32
      %mul3A_801 = arith.muli %scan3A_190, %mul3A_800 : i32
      %add3A_802 = arith.constant 13 : i32
      %add3A_803 = arith.addi %mul3A_801, %add3A_802 : i32
      %broadcast_in_dim3A_804 = arith.constant 0.000000e+00 : f32
      %broadcast_in_dim3A_805 = vector.broadcast %broadcast_in_dim3A_804 : f32 to vector<16xf32>
      %get3A_806 = arith.index_cast %add3A_803 : i32 to index
      %get3A_807 = arith.constant 0 : index
      %get3A_808 = tpu.vector_load %arg9[%get3A_806, %get3A_807] {strides = array<i32>} : memref<512x64xf32, #tpu.memory_space<vmem>>, vector<16xf32>,
      %get3A_809 = arith.index_cast %add3A_803 : i32 to index
      %get3A_810 = arith.constant 0 : index
      %get3A_811 = tpu.vector_load %arg10[%get3A_809, %get3A_810] {strides = array<i32>} : memref<512x64xf32, #tpu.memory_space<vmem>>, vector<16xf32>,
      %mul3A_812 = arith.mulf %get3A_808, %get3A_811 : vector<16xf32>
      %add3A_813 = arith.addf %broadcast_in_dim3A_805, %mul3A_812 : vector<16xf32>
      %get3A_814 = arith.index_cast %add3A_803 : i32 to index
      %get3A_815 = arith.constant 16 : index
      %get3A_816 = tpu.vector_load %arg9[%get3A_814, %get3A_815] {strides = array<i32>} : memref<512x64xf32, #tpu.memory_space<vmem>>, vector<16xf32>,
      %get3A_817 = arith.index_cast %add3A_803 : i32 to index
      %get3A_818 = arith.constant 16 : index
      %get3A_819 = tpu.vector_load %arg10[%get3A_817, %get3A_818] {strides = array<i32>} : memref<512x64xf32, #tpu.memory_space<vmem>>, vector<16xf32>,
      %mul3A_820 = arith.mulf %get3A_816, %get3A_819 : vector<16xf32>
      %add3A_821 = arith.addf %add3A_813, %mul3A_820 : vector<16xf32>
      %get3A_822 = arith.index_cast %add3A_803 : i32 to index
      %get3A_823 = arith.constant 32 : index
      %get3A_824 = tpu.vector_load %arg9[%get3A_822, %get3A_823] {strides = array<i32>} : memref<512x64xf32, #tpu.memory_space<vmem>>, vector<16xf32>,
      %get3A_825 = arith.index_cast %add3A_803 : i32 to index
      %get3A_826 = arith.constant 32 : index
      %get3A_827 = tpu.vector_load %arg10[%get3A_825, %get3A_826] {strides = array<i32>} : memref<512x64xf32, #tpu.memory_space<vmem>>, vector<16xf32>,
      %mul3A_828 = arith.mulf %get3A_824, %get3A_827 : vector<16xf32>
      %add3A_829 = arith.addf %add3A_821, %mul3A_828 : vector<16xf32>
      %get3A_830 = arith.index_cast %add3A_803 : i32 to index
      %get3A_831 = arith.constant 48 : index
      %get3A_832 = tpu.vector_load %arg9[%get3A_830, %get3A_831] {strides = array<i32>} : memref<512x64xf32, #tpu.memory_space<vmem>>, vector<16xf32>,
      %get3A_833 = arith.index_cast %add3A_803 : i32 to index
      %get3A_834 = arith.constant 48 : index
      %get3A_835 = tpu.vector_load %arg10[%get3A_833, %get3A_834] {strides = array<i32>} : memref<512x64xf32, #tpu.memory_space<vmem>>, vector<16xf32>,
      %mul3A_836 = arith.mulf %get3A_832, %get3A_835 : vector<16xf32>
      %add3A_837 = arith.addf %add3A_829, %mul3A_836 : vector<16xf32>
      %eq3A_838 = arith.constant 13 : i32
      %eq3A_839 = vector.broadcast %eq3A_838 : i32 to vector<16xi32>
      %eq3A_840 = arith.cmpi eq, %iota3A, %eq3A_839 : vector<16xi32>
      %reduce_sum3A_841 = arith.constant true
      %reduce_sum3A_842 = vector.broadcast %reduce_sum3A_841 : i1 to vector<16xi1>
      %reduce_sum3A_843 = tpu.scan <sum>, %add3A_837 masked %reduce_sum3A_842 : vector<16xf32>, vector<16xi1> -> vector<16xf32>
      %reduce_sum3A_844 = vector.extract %reduce_sum3A_843[15] : f32 from vector<16xf32>
      %broadcast_in_dim3A_845 = vector.broadcast %reduce_sum3A_844 : f32 to vector<16xf32>
      %select_n3A_846 = arith.select %eq3A_840, %broadcast_in_dim3A_845, %select_n3A_799 : vector<16xi1>, vector<16xf32>
      %mul3A_847 = arith.constant 16 : i32
      %mul3A_848 = arith.muli %scan3A_190, %mul3A_847 : i32
      %add3A_849 = arith.constant 14 : i32
      %add3A_850 = arith.addi %mul3A_848, %add3A_849 : i32
      %broadcast_in_dim3A_851 = arith.constant 0.000000e+00 : f32
      %broadcast_in_dim3A_852 = vector.broadcast %broadcast_in_dim3A_851 : f32 to vector<16xf32>
      %get3A_853 = arith.index_cast %add3A_850 : i32 to index
      %get3A_854 = arith.constant 0 : index
      %get3A_855 = tpu.vector_load %arg9[%get3A_853, %get3A_854] {strides = array<i32>} : memref<512x64xf32, #tpu.memory_space<vmem>>, vector<16xf32>,
      %get3A_856 = arith.index_cast %add3A_850 : i32 to index
      %get3A_857 = arith.constant 0 : index
      %get3A_858 = tpu.vector_load %arg10[%get3A_856, %get3A_857] {strides = array<i32>} : memref<512x64xf32, #tpu.memory_space<vmem>>, vector<16xf32>,
      %mul3A_859 = arith.mulf %get3A_855, %get3A_858 : vector<16xf32>
      %add3A_860 = arith.addf %broadcast_in_dim3A_852, %mul3A_859 : vector<16xf32>
      %get3A_861 = arith.index_cast %add3A_850 : i32 to index
      %get3A_862 = arith.constant 16 : index
      %get3A_863 = tpu.vector_load %arg9[%get3A_861, %get3A_862] {strides = array<i32>} : memref<512x64xf32, #tpu.memory_space<vmem>>, vector<16xf32>,
      %get3A_864 = arith.index_cast %add3A_850 : i32 to index
      %get3A_865 = arith.constant 16 : index
      %get3A_866 = tpu.vector_load %arg10[%get3A_864, %get3A_865] {strides = array<i32>} : memref<512x64xf32, #tpu.memory_space<vmem>>, vector<16xf32>,
      %mul3A_867 = arith.mulf %get3A_863, %get3A_866 : vector<16xf32>
      %add3A_868 = arith.addf %add3A_860, %mul3A_867 : vector<16xf32>
      %get3A_869 = arith.index_cast %add3A_850 : i32 to index
      %get3A_870 = arith.constant 32 : index
      %get3A_871 = tpu.vector_load %arg9[%get3A_869, %get3A_870] {strides = array<i32>} : memref<512x64xf32, #tpu.memory_space<vmem>>, vector<16xf32>,
      %get3A_872 = arith.index_cast %add3A_850 : i32 to index
      %get3A_873 = arith.constant 32 : index
      %get3A_874 = tpu.vector_load %arg10[%get3A_872, %get3A_873] {strides = array<i32>} : memref<512x64xf32, #tpu.memory_space<vmem>>, vector<16xf32>,
      %mul3A_875 = arith.mulf %get3A_871, %get3A_874 : vector<16xf32>
      %add3A_876 = arith.addf %add3A_868, %mul3A_875 : vector<16xf32>
      %get3A_877 = arith.index_cast %add3A_850 : i32 to index
      %get3A_878 = arith.constant 48 : index
      %get3A_879 = tpu.vector_load %arg9[%get3A_877, %get3A_878] {strides = array<i32>} : memref<512x64xf32, #tpu.memory_space<vmem>>, vector<16xf32>,
      %get3A_880 = arith.index_cast %add3A_850 : i32 to index
      %get3A_881 = arith.constant 48 : index
      %get3A_882 = tpu.vector_load %arg10[%get3A_880, %get3A_881] {strides = array<i32>} : memref<512x64xf32, #tpu.memory_space<vmem>>, vector<16xf32>,
      %mul3A_883 = arith.mulf %get3A_879, %get3A_882 : vector<16xf32>
      %add3A_884 = arith.addf %add3A_876, %mul3A_883 : vector<16xf32>
      %eq3A_885 = arith.constant 14 : i32
      %eq3A_886 = vector.broadcast %eq3A_885 : i32 to vector<16xi32>
      %eq3A_887 = arith.cmpi eq, %iota3A, %eq3A_886 : vector<16xi32>
      %reduce_sum3A_888 = arith.constant true
      %reduce_sum3A_889 = vector.broadcast %reduce_sum3A_888 : i1 to vector<16xi1>
      %reduce_sum3A_890 = tpu.scan <sum>, %add3A_884 masked %reduce_sum3A_889 : vector<16xf32>, vector<16xi1> -> vector<16xf32>
      %reduce_sum3A_891 = vector.extract %reduce_sum3A_890[15] : f32 from vector<16xf32>
      %broadcast_in_dim3A_892 = vector.broadcast %reduce_sum3A_891 : f32 to vector<16xf32>
      %select_n3A_893 = arith.select %eq3A_887, %broadcast_in_dim3A_892, %select_n3A_846 : vector<16xi1>, vector<16xf32>
      %mul3A_894 = arith.constant 16 : i32
      %mul3A_895 = arith.muli %scan3A_190, %mul3A_894 : i32
      %add3A_896 = arith.constant 15 : i32
      %add3A_897 = arith.addi %mul3A_895, %add3A_896 : i32
      %broadcast_in_dim3A_898 = arith.constant 0.000000e+00 : f32
      %broadcast_in_dim3A_899 = vector.broadcast %broadcast_in_dim3A_898 : f32 to vector<16xf32>
      %get3A_900 = arith.index_cast %add3A_897 : i32 to index
      %get3A_901 = arith.constant 0 : index
      %get3A_902 = tpu.vector_load %arg9[%get3A_900, %get3A_901] {strides = array<i32>} : memref<512x64xf32, #tpu.memory_space<vmem>>, vector<16xf32>,
      %get3A_903 = arith.index_cast %add3A_897 : i32 to index
      %get3A_904 = arith.constant 0 : index
      %get3A_905 = tpu.vector_load %arg10[%get3A_903, %get3A_904] {strides = array<i32>} : memref<512x64xf32, #tpu.memory_space<vmem>>, vector<16xf32>,
      %mul3A_906 = arith.mulf %get3A_902, %get3A_905 : vector<16xf32>
      %add3A_907 = arith.addf %broadcast_in_dim3A_899, %mul3A_906 : vector<16xf32>
      %get3A_908 = arith.index_cast %add3A_897 : i32 to index
      %get3A_909 = arith.constant 16 : index
      %get3A_910 = tpu.vector_load %arg9[%get3A_908, %get3A_909] {strides = array<i32>} : memref<512x64xf32, #tpu.memory_space<vmem>>, vector<16xf32>,
      %get3A_911 = arith.index_cast %add3A_897 : i32 to index
      %get3A_912 = arith.constant 16 : index
      %get3A_913 = tpu.vector_load %arg10[%get3A_911, %get3A_912] {strides = array<i32>} : memref<512x64xf32, #tpu.memory_space<vmem>>, vector<16xf32>,
      %mul3A_914 = arith.mulf %get3A_910, %get3A_913 : vector<16xf32>
      %add3A_915 = arith.addf %add3A_907, %mul3A_914 : vector<16xf32>
      %get3A_916 = arith.index_cast %add3A_897 : i32 to index
      %get3A_917 = arith.constant 32 : index
      %get3A_918 = tpu.vector_load %arg9[%get3A_916, %get3A_917] {strides = array<i32>} : memref<512x64xf32, #tpu.memory_space<vmem>>, vector<16xf32>,
      %get3A_919 = arith.index_cast %add3A_897 : i32 to index
      %get3A_920 = arith.constant 32 : index
      %get3A_921 = tpu.vector_load %arg10[%get3A_919, %get3A_920] {strides = array<i32>} : memref<512x64xf32, #tpu.memory_space<vmem>>, vector<16xf32>,
      %mul3A_922 = arith.mulf %get3A_918, %get3A_921 : vector<16xf32>
      %add3A_923 = arith.addf %add3A_915, %mul3A_922 : vector<16xf32>
      %get3A_924 = arith.index_cast %add3A_897 : i32 to index
      %get3A_925 = arith.constant 48 : index
      %get3A_926 = tpu.vector_load %arg9[%get3A_924, %get3A_925] {strides = array<i32>} : memref<512x64xf32, #tpu.memory_space<vmem>>, vector<16xf32>,
      %get3A_927 = arith.index_cast %add3A_897 : i32 to index
      %get3A_928 = arith.constant 48 : index
      %get3A_929 = tpu.vector_load %arg10[%get3A_927, %get3A_928] {strides = array<i32>} : memref<512x64xf32, #tpu.memory_space<vmem>>, vector<16xf32>,
      %mul3A_930 = arith.mulf %get3A_926, %get3A_929 : vector<16xf32>
      %add3A_931 = arith.addf %add3A_923, %mul3A_930 : vector<16xf32>
      %eq3A_932 = arith.constant 15 : i32
      %eq3A_933 = vector.broadcast %eq3A_932 : i32 to vector<16xi32>
      %eq3A_934 = arith.cmpi eq, %iota3A, %eq3A_933 : vector<16xi32>
      %reduce_sum3A_935 = arith.constant true
      %reduce_sum3A_936 = vector.broadcast %reduce_sum3A_935 : i1 to vector<16xi1>
      %reduce_sum3A_937 = tpu.scan <sum>, %add3A_931 masked %reduce_sum3A_936 : vector<16xf32>, vector<16xi1> -> vector<16xf32>
      %reduce_sum3A_938 = vector.extract %reduce_sum3A_937[15] : f32 from vector<16xf32>
      %broadcast_in_dim3A_939 = vector.broadcast %reduce_sum3A_938 : f32 to vector<16xf32>
      %select_n3A_940 = arith.select %eq3A_934, %broadcast_in_dim3A_939, %select_n3A_893 : vector<16xi1>, vector<16xf32>
      %neg3A = arith.constant 0.000000e+00 : f32
      %neg3A_941 = vector.broadcast %neg3A : f32 to vector<16xf32>
      %neg3A_942 = arith.subf %neg3A_941, %select_n3A_940 : vector<16xf32>
      %exp3A = math.exp %neg3A_942 : vector<16xf32>
      %add3A_943 = arith.constant 1.000000e+00 : f32
      %add3A_944 = vector.broadcast %add3A_943 : f32 to vector<16xf32>
      %add3A_945 = arith.addf %add3A_944, %exp3A : vector<16xf32>
      %div3A = arith.constant 1.000000e+00 : f32
      %div3A_946 = vector.broadcast %div3A : f32 to vector<16xf32>
      %div3A_947 = arith.divf %div3A_946, %add3A_945 : vector<16xf32>
      %mul3A_948 = arith.constant 16 : i32
      %mul3A_949 = arith.muli %scan3A_190, %mul3A_948 : i32
      %swap3A = arith.index_cast %mul3A_949 : i32 to index
      %swap3A_950 = tpu.vector_load %arg11[%swap3A] {strides = array<i32>} : memref<512xf32, #tpu.memory_space<vmem>>, vector<16xf32>,
      tpu.vector_store %arg11[%swap3A], %div3A_947 {strides = array<i32>} : memref<512xf32, #tpu.memory_space<vmem>>, vector<16xf32>,
      %scan3A_951 = arith.constant 0 : i32
      scf.yield %scan3A_951 : i32
    }
    %scan3A_189 = arith.constant 32 : i32
    "tpu.region"() ({
      %run_scoped3A_190 = tpu.sem_alloc : memref<!tpu.dma_semaphore, #tpu.memory_space<semaphore_mem>>
      %dma_start3A_191 = tpu.memref_slice %arg6[%mul3A_2] : memref<16384xf32, #tpu.memory_space<hbm>> -> memref<512xf32, #tpu.memory_space<hbm>>
      %dma_start3A_192 = tpu.memref_slice %arg6[%mul3A_2] : memref<16384xf32, #tpu.memory_space<hbm>> -> memref<512xf32, #tpu.memory_space<hbm>>
      tpu.enqueue_dma source(%arg11 : memref<512xf32, #tpu.memory_space<vmem>>) target(%dma_start3A_192 : memref<512xf32, #tpu.memory_space<hbm>>) target_semaphore(%run_scoped3A_190 : memref<!tpu.dma_semaphore, #tpu.memory_space<semaphore_mem>>)
      %dma_wait3A_193 = tpu.memref_slice %arg6[%mul3A_2] : memref<16384xf32, #tpu.memory_space<hbm>> -> memref<512xf32, #tpu.memory_space<hbm>>
      %dma_wait3A_194 = tpu.memref_slice %arg6[%mul3A_2] : memref<16384xf32, #tpu.memory_space<hbm>> -> memref<512xf32, #tpu.memory_space<hbm>>
      tpu.wait_dma2 semaphore(%run_scoped3A_190 : memref<!tpu.dma_semaphore, #tpu.memory_space<semaphore_mem>>) src(%arg11 : memref<512xf32, #tpu.memory_space<vmem>>) dst(%dma_wait3A_194 : memref<512xf32, #tpu.memory_space<hbm>>)
      tpu.yield
    }) : () -> ()
    return
  }
}

</mosaic_0001>

<sc_bundles>
// kernel: kernel.3.cloned.1.call-start
scs
__scs_entry_jumppad:
0x0: {  	(pc) =	sbr.rel $0x88, $3  }
0x1: {  	(tag) =	ssettag $0x0;
	lr =	simm.s32 $0x1  }
0x2: {  	[smem:$0x3F9D] =	sst lr;
	_ =	strace $0xD0000000  }
0x3: {  	_ = 	snop  }
0x4: {  	_ = 	snop  }
0x5: {  	_ = 	snop  }
0x6: {  	_ = 	snop  }
0x7: {  	_ = 	snop  }
__scs_overlays_trampoline_lowered:
0x8: {  	[smem:$0x3FAC] =	sst s0  }
0x9: {  	[smem:$0x3FAD] =	sst s1  }
0xa: {  	[smem:$0x3FAE] =	sst s2  }
0xb: {  	[smem:$0x3FAF] =	sst s3  }
0xc: {  	[smem:$0x3FB0] =	sst s4  }
0xd: {  	[smem:$0x3FB1] =	sst s5  }
0xe: {  	[smem:$0x3FB2] =	sst s6  }
0xf: {  	[smem:$0x3FB3] =	sst s7  }
0x10: {  	[smem:$0x3FB4] =	sst s8  }
0x11: {  	[smem:$0x3FB5] =	sst s9;
	s0 =	simm.s32 @!p0 $0x0  }
0x12: {  	s1 =	sld [smem:$0x3F9B];
	s0 =	simm.s32 @p0 $0x1  }
0x13: {  	[smem:$0x3FB6] =	sst s0;
	s0 =	simm.s32 @!p1 $0x0  }
0x14: {  	s2 =	sld [smem:$0x3F9A];
	s0 =	simm.s32 @p1 $0x1  }
0x15: {  	[smem:$0x3FB7] =	sst s0;
	s0 =	simm.s32 @!p2 $0x0  }
0x16: {  	s3 =	sld [smem:$0x3FDB];
	s0 =	simm.s32 @p2 $0x1  }
0x17: {  	s4 =	simm.s32 $0x1BF5;
	[smem:$0x3FB9] =	sst s0  }
0x18: {  	s0 =	sld [smem:$0x3F9C];
	_ =	swait.ge [sflag:s4], $0x0  }
0x19: {  	s7 =	sld [smem:$0x3F9D]  }
0x1a: {  	s8 =	sadd.s32 $0xFFFFE003, lr  }
0x1b: {  	s9 =	sadd.s32 $0xFFFFFEF7, lr;
	s5 =	simm.s32 $0xFFFFFFFF;
	p2 =	slt.u32 s8, $0xFFFFF086  }
0x1c: {  	p1 =	slt.u32 s9, $0xF7A;
	s5 =	simm.s32 @!p2 $0x0  }
0x1d: {  	s5 =	simm.s32 @p1 $0x1;
	p0 =	seq.s32 s7, s2  }
0x1e: {  	s7 =	smul.u32 @!p0 $0xF7A, s2;
	p2 =	seq.s32 @!p0 s5, $0x0  }
0x1f: {  	s9 =	smul.u32 $0xF7A, s1;
	s8 =	simm.s32 @!p0 $0x1BF5;
	p2 =	por !p2, p0  }
0x20: {  	[sflag:s8] =	ssyncset.s32 @!p0 $0xFFFFF086;
	s6 =	sadd.s32 @!p0 s3, s7;
	s7 =	simm.s32 @!p0 $0x108  }
0x21: {  	s3 =	sadd.s32 s3, s9;
	s6 =	sadd.s32 @!p0 $0x88, s6;
	s7 =	simm.s32 @p2 $0x1082  }
0x22: {  	[simem:s7], [sflag:s8] =	dma.local @!p0 [hbm:s6], $0xF7A  }
0x23: {  	s9 =	sor.u32 $0xD0000000, s2;
	s6 =	simm.s32 $0x108;
	_ =	swait.ge @!p0 [sflag:s8], $0x0  }
0x24: {  	s3 =	sadd.s32 $0x88, s3;
	s6 =	simm.s32 @!p1 $0x1082;
	[sflag:s4] =	ssyncset.s32 $0xFFFFF086  }
0x25: {  	[simem:s6], [sflag:s4] =	dma.local [hbm:s3], $0xF7A  }
0x26: {  	[smem:$0x3F9D] =	sst s1;
	(tag) =	ssettag s2;
	_ =	strace s9  }
0x27: {  	s1 =	sld [smem:$0x3FAD]  }
0x28: {  	s2 =	sld [smem:$0x3FAE]  }
0x29: {  	s4 =	sld [smem:$0x3FB0]  }
0x2a: {  	p0 =	seq.s32 s5, $0x0;
	s5 =	sld [smem:$0x3FB1]  }
0x2b: {  	s6 =	sld [smem:$0x3FB2]  }
0x2c: {  	s7 =	sld [smem:$0x3FB3]  }
0x2d: {  	s3 =	simm.s32 $0x108;
	s8 =	sld [smem:$0x3FB4]  }
0x2e: {  	s3 =	simm.s32 @!p0 $0x1082;
	s9 =	sld [smem:$0x3FB5]  }
0x2f: {  	lr =	sadd.s32 s0, s3;
	s0 =	sld [smem:$0x3FAC]  }
0x30: {  	s3 =	sld [smem:$0x3FAF]  }
0x31: {  	[smem:$0x3FB8] =	sst s10  }
0x32: {  	s10 =	sld [smem:$0x3FB6];
	_ =	sdelay $0x3  }
0x33: {  	p0 =	seq.s32 s10, $0x1;
	s10 =	sld [smem:$0x3FB8];
	_ =	sdelay $0x3  }
0x34: {  	[smem:$0x3FB8] =	sst s10  }
0x35: {  	s10 =	sld [smem:$0x3FB7];
	_ =	sdelay $0x3  }
0x36: {  	p1 =	seq.s32 s10, $0x1;
	s10 =	sld [smem:$0x3FB8];
	_ =	sdelay $0x3  }
0x37: {  	[smem:$0x3FB8] =	sst s10  }
0x38: {  	s10 =	sld [smem:$0x3FB9]  }
0x39: {  	_ = 	snop;
	(pc) =	sbr.ind lr, $3  }
0x3a: {  	_ = 	snop  }
0x3b: {  	_ = 	snop  }
0x3c: {  	p2 =	seq.s32 s10, $0x1;
	s10 =	sld [smem:$0x3FB8]  }
0x3d: {  	_ =	shalt  }
0x3e: {  	_ =	shalt  }
0x3f: {  	_ =	shalt  }
0x40: {  	_ =	shalt  }
0x41: {  	_ =	shalt  }
0x42: {  	_ =	shalt  }
0x43: {  	_ =	shalt  }
0x44: {  	_ =	shalt  }
0x45: {  	_ =	shalt  }
0x46: {  	_ =	shalt  }
0x47: {  	_ =	shalt  }
0x48: {  	_ =	shalt  }
0x49: {  	_ =	shalt  }
0x4a: {  	_ =	shalt  }
0x4b: {  	_ =	shalt  }
0x4c: {  	_ =	shalt  }
0x4d: {  	_ =	shalt  }
0x4e: {  	_ =	shalt  }
0x4f: {  	_ =	shalt  }
0x50: {  	_ =	shalt  }
0x51: {  	_ =	shalt  }
0x52: {  	_ =	shalt  }
0x53: {  	_ =	shalt  }
0x54: {  	_ =	shalt  }
0x55: {  	_ =	shalt  }
0x56: {  	_ =	shalt  }
0x57: {  	_ =	shalt  }
0x58: {  	_ =	shalt  }
0x59: {  	_ =	shalt  }
0x5a: {  	_ =	shalt  }
0x5b: {  	_ =	shalt  }
0x5c: {  	_ =	shalt  }
0x5d: {  	_ =	shalt  }
0x5e: {  	_ =	shalt  }
0x5f: {  	_ =	shalt  }
0x60: {  	_ =	shalt  }
0x61: {  	_ =	shalt  }
0x62: {  	_ =	shalt  }
0x63: {  	_ =	shalt  }
0x64: {  	_ =	shalt  }
0x65: {  	_ =	shalt  }
0x66: {  	_ =	shalt  }
0x67: {  	_ =	shalt  }
0x68: {  	_ =	shalt  }
0x69: {  	_ =	shalt  }
0x6a: {  	_ =	shalt  }
0x6b: {  	_ =	shalt  }
0x6c: {  	_ =	shalt  }
0x6d: {  	_ =	shalt  }
0x6e: {  	_ =	shalt  }
0x6f: {  	_ =	shalt  }
0x70: {  	_ =	shalt  }
0x71: {  	_ =	shalt  }
0x72: {  	_ =	shalt  }
0x73: {  	_ =	shalt  }
0x74: {  	_ =	shalt  }
0x75: {  	_ =	shalt  }
0x76: {  	_ =	shalt  }
0x77: {  	_ =	shalt  }
0x78: {  	_ =	shalt  }
0x79: {  	_ =	shalt  }
0x7a: {  	_ =	shalt  }
0x7b: {  	_ =	shalt  }
0x7c: {  	_ =	shalt  }
0x7d: {  	_ =	shalt  }
0x7e: {  	_ =	shalt  }
0x7f: {  	_ =	shalt  }
0x80: {  	_ =	shalt  }
0x81: {  	_ =	shalt  }
0x82: {  	_ =	shalt  }
0x83: {  	_ =	shalt  }
0x84: {  	_ =	shalt  }
0x85: {  	_ =	shalt  }
0x86: {  	_ =	shalt  }
0x87: {  	_ =	shalt  }
.Lfunc_end0:
.L_simem_size_0:
called_computation_lowered:
.L_overlay_start_0:
0x88: {  	s2 =	sld [smem:$0x3FD9]  }
0x89: {  	s3 =	sld [smem:$0x3FFE];
	_ =	sdelay $0x1  }
0x8a: {  	s1 =	srdreg.scid  }
0x8b: {  	s0 =	sand.u32 $0x1, s1  }
0x8c: {  	s17 =	sshll.u32 s0, $0xA;
	s2 =	sadd.s32 s3, s2  }
0x8d: {  	s2 =	sadd.s32 s2, s17  }
0x8e: {  	[smem:$0x3FC4] =	sst s2  }
0x8f: {  	_ = 	snop  }
0x90: {  	s2 =	sld [smem:$0x3FC9]  }
0x91: {  	s18 =	sld [smem:$0x3FC8]  }
0x92: {  	s4 =	sld [smem:$0x3FD0];
	(tm) =	ssettm $0x1  }
0x93: {  	s5 =	sld [smem:$0x3FFB];
	_ =	sdelay $0x3  }
0x94: {  	_ =	strace s5  }
0x95: {  	s5 =	sld [smem:$0x3FFC];
	_ =	sdelay $0x3  }
0x96: {  	_ =	strace s5  }
0x97: {  	s5 =	sld [smem:$0x3FFD];
	_ =	sdelay $0x3  }
0x98: {  	_ =	strace s5  }
0x99: {  	_ =	strace $0x8FFFFFFF  }
0x9a: {  	s19 =	sld [smem:$0x3FDB];
	_ =	sdelay $0x1  }
0x9b: {  	s6 =	simm.s32 $_scs_section_size  }
0x9c: {  	s7 =	simm.s32 $_size__tile_overlayer_lowered;
	s8 =	simm.s32 $_tile_overlayer_lowered  }
0x9d: {  	s22 =	simm.s32 $0x1BFF;
	s21 =	sshll.u32 s8, $0x1;
	s5 =	sadd.s32 s6, s19  }
0x9e: {  	s9 =	simm.s32 $0x0;
	s20 =	sshll.u32 s7, $0x1;
	s7 =	sadd.s32 s21, s5  }
0x9f: {  	[timem:s9], [sflag:s22] =	dma.local [hbm:s7], s20  }
0xa0: {  	_ =	swait.ge [sflag:s22], s20  }
0xa1: {  	s6 =	ssub.s32 $0x0, s20;
	[sflag:s22] =	ssyncset.done $0x0  }
0xa2: {  	[sflag:s22] =	ssyncadd.s32 s6;
	_ =	sdelay $0x1  }
0xa3: {  	s23 =	simm.s32 $0x1B8B  }
0xa4: {  	_ =	swait.ge [sflag:s23], $0x1  }
0xa5: {  	[sflag:s23] =	ssyncset.done $0x0  }
0xa6: {  	s25 =	simm.s32 $0x1B8E;
	s24 =	sld [smem:$0x3FFE];
	[sflag:s23] =	ssyncadd.s32 $0xFFFFFFFF  }
0xa7: {  	s26 =	simm.s32 $execute0_lowered;
	[smem:$0x3FD2] =	sst s25  }
0xa8: {  	s7 =	sshll.u32 s26, $0x1;
	_ =	strace $0x80000046;
	[dreg:$0x1] =	wrdreg $0xFFFFFFFF  }
0xa9: {  	s28 =	simm.s32 $_size_execute0_lowered;
	s5 =	sadd.s32 s5, s7;
	[dreg:$0x0] =	wrdreg $0x0  }
0xaa: {  	s7 =	sshll.u32 s28, $0x1;
	[dreg:$0x2] =	wrdreg s5  }
0xab: {  	[dreg:$0x3] =	wrdreg s7  }
0xac: {  	[dreg:$0x4] =	wrdreg $0xC0  }
0xad: {  	_ =	task [dreg:s9], $0x5FFFF  }
0xae: {  	[dreg:$0x1] =	wrdreg $0xFFFFFFFF  }
0xaf: {  	[dreg:$0x0] =	wrdreg $0x60  }
0xb0: {  	[dreg:$0x2] =	wrdreg s2  }
0xb1: {  	[dreg:$0x3] =	wrdreg s18  }
0xb2: {  	[dreg:$0x4] =	wrdreg s24  }
0xb3: {  	[dreg:$0x5] =	wrdreg s4  }
0xb4: {  	[dreg:$0x6] =	wrdreg $0x9  }
0xb5: {  	_ =	task.clear_ibuf [dreg:s9], $0x7FFFF;
	_ =	strace $0x90000046  }
0xb6: {  	s29 =	simm.s32 $0x9;
	_ =	strace $0x80000048  }
0xb7: {  	_ =	swait.ge [sflag:s29], $0x1  }
0xb8: {  	[sflag:s29] =	ssyncadd.s32 $0xFFFFFFFF  }
0xb9: {  	_ =	strace $0x90000048  }
0xba: {  	_ =	sfence  }
0xbb: {  	s30 =	sld [smem:$0x0];
	_ =	sdelay $0x2  }
0xbc: {  	s31 =	sshll.u32 s1, $0xD;
	s1 =	sshrl.u32 s1, $0x2  }
0xbd: {  	s3 =	sand.u32 $0x4000, s31;
	s1 =	sadd.s32 s1, s30  }
0xbe: {  	s0 =	sor.u32 s3, s0;
	s1 =	sshll.u32 s1, $0x11  }
0xbf: {  	s0 =	sor.u32 s1, s0  }
0xc0: {  	s0 =	sadd.s32 $0x8F2B, s0  }
0xc1: {  	[sflag:s0] =	ssyncadd.remote.s32 $0x1  }
0xc2: {  	_ =	sfence.sel $0xFFFF  }
0xc3: {  	[dreg:$0x0] =	wrdreg $0xFFFFFFFF;
	(pc) =	sbr.abs _section_cstart, $3  }
0xc4: {  	[dreg:$0x1] =	wrdreg $0xFFFFFFFF  }
0xc5: {  	_ =	task.clear_ibuf [dreg:s9], $0x2FFFF;
	_ =	strace $0x9FFFFFFF  }
0xc6: {  	(tm) =	ssettm $0x7FFFFFFF  }
0xc7: {  	_ =	shalt  }
tec
execute0_lowered:
.L_overlay_start_1:
0x0: {  	(tag) =	ssettag $0x1  }
0x1: {  	s0 =	rddreg [dreg:$0x0]  }
0x2: {  	s2 =	rddreg [dreg:$0x1]  }
0x3: {  	s4 =	rddreg [dreg:$0x2]  }
0x4: {  	s13 =	rddreg [dreg:$0x3]  }
0x5: {  	s1 =	simm.s32 $0x0;
	s5 =	srdreg.scid;
	s7 =	stileid.u32  }
0x6: {  	s16 =	simm.s32 $0x200;
	s17 =	simm.s32 $0x80;
	s18 =	simm.s32 $0x280  }
0x7: {  	s19 =	simm.s32 $0x100;
	s20 =	simm.s32 $0x300;
	s21 =	simm.s32 $0x180  }
0x8: {  	s22 =	simm.s32 $0x380;
	s28 =	simm.s32 $0x4400;
	s29 =	simm.s32 $0xC400  }
0x9: {  	s30 =	simm.s32 $0x6400;
	s31 =	simm.s32 $0xE400;
	s23 =	simm.s32 $0x0  }
0xa: {  	[smem:$0x7FF] =	sst s1;
	s3 =	sadd.s32 $0xF42800, s4;
	s5 =	sand.u32 $0x1, s5  }
0xb: {  	s7 =	sshll.u32 s7, $0x7;
	s6 =	ssub.s32 $0x2, s5;
	s5 =	sshll.u32 s5, $0x6  }
0xc: {  	s4 =	sadd.s32 $0x16E3A00, s4;
	s8 =	sshrl.u32 s6, $0x1;
	s14 =	sor.u32 s5, s7  }
0xd: {  	_ =	strace $0x80000047;
	s15 =	ssub.s32 s6, s8;
	s5 =	sadd.s32 s0, s14  }
0xe: {  	vm0 =	vmmov $0x1;
	vm1 =	vmmov $0x3;
	vm2 =	vmmov $0x7;
	s26 =	sor.u32 $0x10, s14;
	s6 =	sadd.s32 s2, s14;
	s10 =	sor.u32 $0x20, s14  }
0xf: {  	vm3 =	vmmov $0xf;
	vm4 =	vmmov $0x1f;
	vm5 =	vmmov $0x3f;
	s12 =	sor.u32 $0x30, s14;
	s13 =	sadd.s32 s13, s14;
	s7 =	sadd.s32 s0, s26  }
0x10: {  	vm6 =	vmmov $0x7f;
	vm7 =	vmmov $0xff;
	vm8 =	vmmov $0x1ff;
	s8 =	sadd.s32 s2, s26;
	s9 =	sadd.s32 s0, s10;
	s10 =	sadd.s32 s2, s10  }
0x11: {  	vm9 =	vmmov $0x3ff;
	vm10 =	vmmov $0x7ff;
	vm11 =	vmmov $0xfff;
	s11 =	sadd.s32 s0, s12;
	s12 =	sadd.s32 s2, s12;
	s14 =	smax.u32 s15, $0x1  }
0x12: {  	vm12 =	vmmov $0x1fff;
	vm13 =	vmmov $0x3fff;
	vm14 =	vmmov $0x7fff;
	s15 =	simm.s32 $0x2;
	s0 =	simm.s32 $0x1;
	s2 =	simm.s32 $0x10400  }
.LBB2_1:
0x13: {  	[tilespmem:s1], [sflag:$0x2] =	stream.linear.gather [hbm4b:s5+s1], $0x80, $0x38;
	[tilespmem:$0x10600] =	vst v63  }
0x14: {  	_ =	swait.ge [sflag:s15], $0x80  }
0x15: {  	[sflag:s15] =	ssyncset.done $0x0  }
0x16: {  	[sflag:s15] =	ssyncadd.s32 $0xFFFFFF80  }
0x17: {  	[tilespmem:s16], [sflag:$0x2] =	stream.linear.gather [hbm4b:s6+s1], $0x80, $0x38;
	[tilespmem:$0x10600] =	vst v63  }
0x18: {  	_ =	swait.ge [sflag:s15], $0x80  }
0x19: {  	[sflag:s15] =	ssyncset.done $0x0  }
0x1a: {  	[sflag:s15] =	ssyncadd.s32 $0xFFFFFF80  }
0x1b: {  	[tilespmem:s17], [sflag:$0x2] =	stream.linear.gather [hbm4b:s7+s1], $0x80, $0x38;
	[tilespmem:$0x10600] =	vst v63  }
0x1c: {  	_ =	swait.ge [sflag:s15], $0x80  }
0x1d: {  	[sflag:s15] =	ssyncset.done $0x0  }
0x1e: {  	[sflag:s15] =	ssyncadd.s32 $0xFFFFFF80  }
0x1f: {  	[tilespmem:s18], [sflag:$0x2] =	stream.linear.gather [hbm4b:s8+s1], $0x80, $0x38;
	[tilespmem:$0x10600] =	vst v63  }
0x20: {  	_ =	swait.ge [sflag:s15], $0x80  }
0x21: {  	[sflag:s15] =	ssyncset.done $0x0  }
0x22: {  	[sflag:s15] =	ssyncadd.s32 $0xFFFFFF80  }
0x23: {  	[tilespmem:s19], [sflag:$0x2] =	stream.linear.gather [hbm4b:s9+s1], $0x80, $0x38;
	[tilespmem:$0x10600] =	vst v63  }
0x24: {  	_ =	swait.ge [sflag:s15], $0x80  }
0x25: {  	[sflag:s15] =	ssyncset.done $0x0  }
0x26: {  	[sflag:s15] =	ssyncadd.s32 $0xFFFFFF80  }
0x27: {  	[tilespmem:s20], [sflag:$0x2] =	stream.linear.gather [hbm4b:s10+s1], $0x80, $0x38;
	[tilespmem:$0x10600] =	vst v63  }
0x28: {  	_ =	swait.ge [sflag:s15], $0x80  }
0x29: {  	[sflag:s15] =	ssyncset.done $0x0  }
0x2a: {  	[sflag:s15] =	ssyncadd.s32 $0xFFFFFF80  }
0x2b: {  	[tilespmem:s21], [sflag:$0x2] =	stream.linear.gather [hbm4b:s11+s1], $0x80, $0x38;
	[tilespmem:$0x10600] =	vst v63  }
0x2c: {  	_ =	swait.ge [sflag:s15], $0x80  }
0x2d: {  	[sflag:s15] =	ssyncset.done $0x0  }
0x2e: {  	[sflag:s15] =	ssyncadd.s32 $0xFFFFFF80  }
0x2f: {  	[tilespmem:s22], [sflag:$0x2] =	stream.linear.gather [hbm4b:s12+s1], $0x80, $0x38;
	[tilespmem:$0x10600] =	vst v63  }
0x30: {  	_ =	swait.ge [sflag:s15], $0x80  }
0x31: {  	[sflag:s15] =	ssyncset.done $0x0  }
0x32: {  	s24 =	simm.s32 $0x400;
	[sflag:s15] =	ssyncadd.s32 $0xFFFFFF80  }
0x33: {  	[tilespmem:s24], [sflag:$0x1] =	stream.indirect.gather [hbm4b:s3+s17], $0x40, s1, s17, $0xb8;
	[tilespmem:$0x10600] =	vst v63  }
0x34: {  	s25 =	simm.s32 $0x8400  }
0x35: {  	[tilespmem:s25], [sflag:$0x1] =	stream.indirect.gather [hbm4b:s4+s17], $0x40, s16, s17, $0xb8;
	[tilespmem:$0x10600] =	vst v63  }
0x36: {  	s26 =	simm.s32 $0x2400  }
0x37: {  	[tilespmem:s26], [sflag:$0x1] =	stream.indirect.gather [hbm4b:s3+s17], $0x40, s17, s17, $0xb8;
	[tilespmem:$0x10600] =	vst v63  }
0x38: {  	s25 =	simm.s32 $0xA400  }
0x39: {  	[tilespmem:s25], [sflag:$0x1] =	stream.indirect.gather [hbm4b:s4+s17], $0x40, s18, s17, $0xb8;
	[tilespmem:$0x10600] =	vst v63  }
0x3a: {  	_ = 	snop  }
0x3b: {  	[tilespmem:s28], [sflag:$0x1] =	stream.indirect.gather [hbm4b:s3+s17], $0x40, s19, s17, $0xb8;
	[tilespmem:$0x10600] =	vst v63  }
0x3c: {  	_ = 	snop  }
0x3d: {  	[tilespmem:s29], [sflag:$0x1] =	stream.indirect.gather [hbm4b:s4+s17], $0x40, s20, s17, $0xb8;
	[tilespmem:$0x10600] =	vst v63  }
0x3e: {  	_ = 	snop  }
0x3f: {  	[tilespmem:s30], [sflag:$0x1] =	stream.indirect.gather [hbm4b:s3+s17], $0x40, s21, s17, $0xb8;
	[tilespmem:$0x10600] =	vst v63  }
0x40: {  	_ = 	snop  }
0x41: {  	[tilespmem:s31], [sflag:$0x1] =	stream.indirect.gather [hbm4b:s4+s17], $0x40, s22, s17, $0xb8;
	[tilespmem:$0x10600] =	vst v63  }
0x42: {  	_ =	swait.ge [sflag:s0], $0x2000  }
0x43: {  	[sflag:s0] =	ssyncset.done $0x0  }
0x44: {  	[sflag:s0] =	ssyncadd.s32 $0xFFFFE000  }
0x45: {  	_ =	swait.ge [sflag:s0], $0x2000  }
0x46: {  	[sflag:s0] =	ssyncset.done $0x0  }
0x47: {  	[sflag:s0] =	ssyncadd.s32 $0xFFFFE000  }
0x48: {  	_ =	swait.ge [sflag:s0], $0x2000  }
0x49: {  	[sflag:s0] =	ssyncset.done $0x0  }
0x4a: {  	[sflag:s0] =	ssyncadd.s32 $0xFFFFE000  }
0x4b: {  	_ =	swait.ge [sflag:s0], $0x2000  }
0x4c: {  	[sflag:s0] =	ssyncset.done $0x0  }
0x4d: {  	[sflag:s0] =	ssyncadd.s32 $0xFFFFE000  }
0x4e: {  	_ =	swait.ge [sflag:s0], $0x2000  }
0x4f: {  	[sflag:s0] =	ssyncset.done $0x0  }
0x50: {  	[sflag:s0] =	ssyncadd.s32 $0xFFFFE000  }
0x51: {  	_ =	swait.ge [sflag:s0], $0x2000  }
0x52: {  	[sflag:s0] =	ssyncset.done $0x0  }
0x53: {  	[sflag:s0] =	ssyncadd.s32 $0xFFFFE000  }
0x54: {  	_ =	swait.ge [sflag:s0], $0x2000  }
0x55: {  	[sflag:s0] =	ssyncset.done $0x0  }
0x56: {  	[sflag:s0] =	ssyncadd.s32 $0xFFFFE000  }
0x57: {  	_ =	swait.ge [sflag:s0], $0x2000  }
0x58: {  	[sflag:s0] =	ssyncset.done $0x0  }
0x59: {  	s26 =	simm.s32 $0x0;
	[sflag:s0] =	ssyncadd.s32 $0xFFFFE000  }
0x5a: {  	v20 =	vld [tilespmem:s26+$0x7B0]  }
0x5b: {  	v21 =	vld [tilespmem:s26+$0x87B0]  }
0x5c: {  	v0 =	vld [tilespmem:s26+$0x7D0]  }
0x5d: {  	v52 =	vld [tilespmem:s26+$0x87D0]  }
0x5e: {  	v22 =	vld [tilespmem:s26+$0x7A0]  }
0x5f: {  	v23 =	vld [tilespmem:s26+$0x87A0]  }
0x60: {  	v53 =	vld [tilespmem:s26+$0x7C0]  }
0x61: {  	v54 =	vld [tilespmem:s26+$0x87C0]  }
0x62: {  	v24 =	vld [tilespmem:s26+$0x730]  }
0x63: {  	v25 =	vld [tilespmem:s26+$0x8730]  }
0x64: {  	v55 =	vld [tilespmem:s26+$0x760]  }
0x65: {  	v26 =	vld [tilespmem:s26+$0x790]  }
0x66: {  	v27 =	vld [tilespmem:s26+$0x8790]  }
0x67: {  	v28 =	vld [tilespmem:s26+$0x6F0]  }
0x68: {  	v29 =	vld [tilespmem:s26+$0x86F0]  }
0x69: {  	v30 =	vld [tilespmem:s26+$0x720]  }
0x6a: {  	v31 =	vld [tilespmem:s26+$0x8720]  }
0x6b: {  	v56 =	vld [tilespmem:s26+$0x750]  }
0x6c: {  	v57 =	vld [tilespmem:s26+$0x8750]  }
0x6d: {  	v32 =	vld [tilespmem:s26+$0x780]  }
0x6e: {  	v33 =	vld [tilespmem:s26+$0x8780]  }
0x6f: {  	v34 =	vld [tilespmem:s26+$0x6E0]  }
0x70: {  	v35 =	vld [tilespmem:s26+$0x86E0]  }
0x71: {  	v36 =	vld [tilespmem:s26+$0x710]  }
0x72: {  	v37 =	vld [tilespmem:s26+$0x8710]  }
0x73: {  	v58 =	vld [tilespmem:s26+$0x740]  }
0x74: {  	v59 =	vld [tilespmem:s26+$0x8740]  }
0x75: {  	v38 =	vld [tilespmem:s26+$0x670]  }
0x76: {  	v39 =	vld [tilespmem:s26+$0x8670]  }
0x77: {  	v60 =	vld [tilespmem:s26+$0x6A0]  }
0x78: {  	v40 =	vld [tilespmem:s26+$0x6D0]  }
0x79: {  	v41 =	vld [tilespmem:s26+$0x86D0]  }
0x7a: {  	v42 =	vld [tilespmem:s26+$0x700]  }
0x7b: {  	v43 =	vld [tilespmem:s26+$0x8700]  }
0x7c: {  	v44 =	vld [tilespmem:s26+$0x630]  }
0x7d: {  	v45 =	vld [tilespmem:s26+$0x8630]  }
0x7e: {  	v46 =	vld [tilespmem:s26+$0x660]  }
0x7f: {  	v47 =	vld [tilespmem:s26+$0x8660]  }
0x80: {  	v61 =	vld [tilespmem:s26+$0x690]  }
0x81: {  	v62 =	vld [tilespmem:s26+$0x8690]  }
0x82: {  	v48 =	vld [tilespmem:s26+$0x6C0]  }
0x83: {  	v49 =	vld [tilespmem:s26+$0x86C0]  }
0x84: {  	v50 =	vld [tilespmem:s26+$0x620]  }
0x85: {  	v51 =	vld [tilespmem:s26+$0x8620]  }
0x86: {  	v63 =	vld [tilespmem:s26+$0x680]  }
0x87: {  	v4 =	vld [tilespmem:s26+$0x8680]  }
0x88: {  	v5 =	vld [tilespmem:s26+$0x5E0]  }
0x89: {  	v6 =	vld [tilespmem:s26+$0x5D0]  }
0x8a: {  	v7 =	vld [tilespmem:s26+$0x85D0]  }
0x8b: {  	v3 =	vld [tilespmem:s26+$0x600]  }
0x8c: {  	v10 =	vld [tilespmem:s26+$0x560]  }
0x8d: {  	v9 =	vld [tilespmem:s26+$0x8560]  }
0x8e: {  	v1 =	vld [tilespmem:s26+$0x5C0]  }
0x8f: {  	v8 =	vld [tilespmem:s26+$0x85C0]  }
0x90: {  	v16 =	vld [tilespmem:s26+$0x4F0]  }
0x91: {  	v15 =	vld [tilespmem:s26+$0x84F0]  }
0x92: {  	v11 =	vld [tilespmem:s26+$0x520]  }
0x93: {  	v2 =	vld [tilespmem:s26+$0x580]  }
0x94: {  	v14 =	vld [tilespmem:s26+$0x4B0]  }
0x95: {  	v13 =	vld [tilespmem:s26+$0x84B0]  }
0x96: {  	v12 =	vld [tilespmem:s26+$0x4E0]  }
0x97: {  	v19 =	vld [tilespmem:s26+$0x510]  }
0x98: {  	v18 =	vld [tilespmem:s26+$0x8510]  }
0x99: {  	v17 =	vld [tilespmem:s26+$0x430]  }
0x9a: {  	[tilespmem:$0x1FEC0] =	vst v52;
	v52 =	vld [tilespmem:s26+$0x650]  }
0x9b: {  	[tilespmem:$0x1FE90] =	vst v53;
	v53 =	vld [tilespmem:s26+$0x8650]  }
0x9c: {  	[tilespmem:$0x1FEA0] =	vst v54;
	v54 =	vld [tilespmem:s26+$0x5B0]  }
0x9d: {  	[tilespmem:$0x1FE80] =	vst v55;
	v55 =	vld [tilespmem:s26+$0x85B0]  }
0x9e: {  	[tilespmem:$0x1FE60] =	vst v56;
	v56 =	vld [tilespmem:s26+$0x610]  }
0x9f: {  	[tilespmem:$0x1FE70] =	vst v57;
	v57 =	vld [tilespmem:s26+$0x8610]  }
0xa0: {  	[tilespmem:$0x1FE30] =	vst v58;
	v58 =	vld [tilespmem:s26+$0x640]  }
0xa1: {  	[tilespmem:$0x1FE40] =	vst v59;
	v59 =	vld [tilespmem:s26+$0x8640]  }
0xa2: {  	[tilespmem:$0x1FE50] =	vst v60;
	v60 =	vld [tilespmem:s26+$0x570]  }
0xa3: {  	[tilespmem:$0x1FE10] =	vst v61;
	v61 =	vld [tilespmem:s26+$0x8570]  }
0xa4: {  	[tilespmem:$0x1FE20] =	vst v62;
	v62 =	vld [tilespmem:s26+$0x5A0]  }
0xa5: {  	[tilespmem:$0x1FDE0] =	vst v63;
	v63 =	vld [tilespmem:s26+$0x85A0]  }
0xa6: {  	[tilespmem:$0x1FEB0] =	vst v0;
	v0 =	vld [tilespmem:s26+$0x8600]  }
0xa7: {  	[tilespmem:$0x1FDC0] =	vst v6;
	v6 =	vld [tilespmem:s26+$0x590]  }
0xa8: {  	[tilespmem:$0x1FE00] =	vst v5;
	v5 =	vld [tilespmem:s26+$0x8590]  }
0xa9: {  	[tilespmem:$0x1FDA0] =	vst v8;
	v8 =	vld [tilespmem:s26+$0x550]  }
0xaa: {  	[tilespmem:$0x1FDD0] =	vst v7;
	v7 =	vld [tilespmem:s26+$0x8550]  }
0xab: {  	[tilespmem:$0x1FD90] =	vst v1;
	v1 =	vld [tilespmem:s26+$0x8580]  }
0xac: {  	[tilespmem:$0x1FDB0] =	vst v11;
	v11 =	vld [tilespmem:s26+$0x84E0]  }
0xad: {  	[tilespmem:$0x1FDF0] =	vst v4;
	v4 =	vld [tilespmem:s26+$0x540]  }
0xae: {  	v32 =	vmul.f32 v33, v32;
	v33 =	vld [tilespmem:s26+$0x8540]  }
0xaf: {  	v42 =	vmul.f32 v43, v42;
	v43 =	vld [tilespmem:s26+$0x4A0]  }
0xb0: {  	v22 =	vmul.f32 v23, v22;
	v23 =	vld [tilespmem:s26+$0x84A0]  }
0xb1: {  	v48 =	vmul.f32 v49, v48;
	v46 =	vmul.f32 v47, v46;
	v47 =	vld [tilespmem:s26+$0x8490]  }
0xb2: {  	v26 =	vmul.f32 v27, v26;
	v27 =	vadd.f32 $0.0e+00, v32;
	v32 =	vld [tilespmem:s26+$0x8430]  }
0xb3: {  	v49 =	vadd.f32 $0.0e+00, v48;
	v48 =	vld [tilespmem:s26+$0x480]  }
0xb4: {  	v26 =	vadd.f32 v26, v27;
	v27 =	vmul.f32 v37, v36;
	v37 =	vld [tilespmem:s26+$0x4D0]  }
0xb5: {  	v36 =	vadd.f32 $0.0e+00, v42;
	v11 =	vmul.f32 v11, v12;
	v12 =	vld [tilespmem:s26+$0x460]  }
0xb6: {  	v22 =	vadd.f32 v22, v26;
	v26 =	vld [tilespmem:s26+$0x84D0]  }
0xb7: {  	v20 =	vmul.f32 v21, v20;
	v21 =	vadd.f32 v27, v36;
	v27 =	vmul.f32 v31, v30;
	v30 =	vld [tilespmem:s26+$0x500]  }
0xb8: {  	v31 =	vmul.f32 v41, v40;
	v40 =	vld [tilespmem:s26+$0x8500]  }
0xb9: {  	v41 =	vmul.f32 v53, v52;
	v52 =	vmul.f32 v63, v62;
	v63 =	vld [tilespmem:s26+$0x470]  }
0xba: {  	v62 =	vmul.f32 v15, v16;
	v15 =	vld [tilespmem:s26+$0x8520]  }
0xbb: {  	v21 =	vadd.f32 v27, v21;
	v27 =	vld [tilespmem:s26+$0x420]  }
0xbc: {  	v24 =	vmul.f32 v25, v24;
	v25 =	vadd.f32 v31, v49;
	v31 =	vmul.f32 v35, v34;
	v34 =	vld [tilespmem:s26+$0x8420]  }
0xbd: {  	v49 =	vld [tilespmem:s26+$0x8480]  }
0xbe: {  	v20 =	vadd.f32 v20, v22;
	v22 =	vmul.f32 v59, v58;
	v58 =	vld [tilespmem:s26+$0x440]  }
0xbf: {  	v59 =	vld [tilespmem:s26+$0x8440]  }
0xc0: {  	v35 =	vld [tilespmem:s26+$0x8470]  }
0xc1: {  	v4 =	vmul.f32 v33, v4;
	v42 =	vadd.f32 $0.0e+00, v22;
	v22 =	vld [tilespmem:s26+$0x490]  }
0xc2: {  	v21 =	vadd.f32 v24, v21;
	v24 =	vadd.f32 v31, v25;
	v25 =	vmul.f32 v29, v28;
	v28 =	vld [tilespmem:s26+$0x4C0]  }
0xc3: {  	v7 =	vmul.f32 v7, v8;
	v4 =	vadd.f32 $0.0e+00, v4;
	v31 =	vld [tilespmem:s26+$0x84C0]  }
0xc4: {  	v0 =	vmul.f32 v0, v3;
	v29 =	vmul.f32 v57, v56;
	v56 =	vld [tilespmem:s26+$0x8410]  }
0xc5: {  	v53 =	vmul.f32 v9, v10;
	v4 =	vadd.f32 v7, v4;
	v57 =	vmul.f32 v55, v54;
	v54 =	vld [tilespmem:$0x1FDD0]  }
0xc6: {  	v0 =	vadd.f32 $0.0e+00, v0;
	v55 =	vld [tilespmem:s26+$0x86A0]  }
0xc7: {  	v4 =	vadd.f32 v53, v4;
	v53 =	vld [tilespmem:$0x1FDC0]  }
0xc8: {  	v0 =	vadd.f32 v29, v0;
	v29 =	vmul.f32 v51, v50;
	v50 =	vld [tilespmem:s26+$0x410]  }
0xc9: {  	v51 =	vld [tilespmem:s26+$0x8400]  }
0xca: {  	v24 =	vadd.f32 v25, v24;
	v25 =	vmul.f32 v39, v38;
	v38 =	vld [tilespmem:s26+$0x530]  }
0xcb: {  	v3 =	vadd.f32 v41, v42;
	v41 =	vld [tilespmem:s26+$0x8530]  }
0xcc: {  	v42 =	vmul.f32 v32, v17;
	v32 =	vld [tilespmem:$0x1FE10]  }
0xcd: {  	v17 =	vld [tilespmem:$0x1FEA0]  }
0xce: {  	v5 =	vmul.f32 v5, v6;
	v6 =	vmul.f32 v49, v48;
	v49 =	vld [tilespmem:$0x1FDB0]  }
0xcf: {  	v1 =	vmul.f32 v1, v2;
	v7 =	vmul.f32 v59, v58;
	v58 =	vld [tilespmem:$0x1FDE0];
	v3 =	vadd.f32 v46, v3  }
0xd0: {  	v59 =	vld [tilespmem:$0x1FDF0]  }
0xd1: {  	v33 =	vmul.f32 v13, v14;
	v1 =	vadd.f32 $0.0e+00, v1;
	v3 =	vadd.f32 v25, v3;
	v25 =	vld [tilespmem:s26+$0x400]  }
0xd2: {  	v13 =	vmul.f32 v34, v27;
	v34 =	vld [tilespmem:$0x1FE40];
	v0 =	vadd.f32 v29, v0;
	v29 =	vmul.f32 v45, v44  }
0xd3: {  	v1 =	vadd.f32 v5, v1;
	v26 =	vmul.f32 v26, v37;
	v28 =	vmul.f32 v31, v28;
	v31 =	vld [tilespmem:s26+$0x450]  }
0xd4: {  	v6 =	vadd.f32 $0.0e+00, v6;
	v2 =	vmul.f32 v47, v22;
	v22 =	vld [tilespmem:s26+$0x8450];
	v0 =	vadd.f32 v29, v0  }
0xd5: {  	v29 =	vmul.f32 v61, v60;
	v61 =	vmul.f32 v23, v43;
	v23 =	vld [tilespmem:s26+$0x8460];
	v28 =	vadd.f32 $0.0e+00, v28  }
0xd6: {  	(xrf2) =	vadd.scan.msk.f32 $0xffff, v20;
	v1 =	vadd.f32 v52, v1;
	v45 =	vld [tilespmem:$0x1FD90];
	v8 =	vmul.f32 v51, v25  }
0xd7: {  	v37 =	vmul.f32 v40, v30;
	(xrf2) =	vadd.scan.msk.f32 $0xffff, v21;
	v46 =	vld [tilespmem:$0x1FDA0];
	v2 =	vadd.f32 v2, v6;
	v60 =	vadd.f32 v26, v28  }
0xd8: {  	(xrf2) =	vadd.scan.msk.f32 $0xffff, v24;
	v7 =	vadd.f32 $0.0e+00, v7;
	v47 =	vld [tilespmem:s26+$0x5F0];
	v9 =	vmul.f32 v56, v50;
	v8 =	vadd.f32 $0.0e+00, v8  }
0xd9: {  	v50 =	vld [tilespmem:s26+$0x85F0];
	(xrf2) =	vadd.scan.msk.f32 $0xffff, v3;
	v3 =	vmul.f32 v15, v49;
	v2 =	vadd.f32 v61, v2;
	v5 =	vadd.f32 v11, v60  }
0xda: {  	v15 =	vld [tilespmem:$0x1FE70];
	v14 =	vmul.f32 v22, v31;
	v40 =	vmul.f32 v23, v12;
	v8 =	vadd.f32 v9, v8  }
0xdb: {  	v61 =	vld [tilespmem:$0x1FE00];
	v12 =	vmul.f32 v18, v19;
	v36 =	vadd.f32 v62, v5;
	v5 =	vadd.f32 $0.0e+00, v37  }
0xdc: {  	v1 =	vadd.f32 v57, v1;
	v39 =	vadd.f32 v13, v8;
	v13 =	vld [tilespmem:s26+$0x85E0]  }
0xdd: {  	v7 =	vadd.f32 v14, v7;
	v48 =	vadd.f32 v12, v5;
	v12 =	vld [tilespmem:$0x1FE20];
	v8 =	vmul.f32 v46, v45  }
0xde: {  	v44 =	vmul.f32 v35, v63;
	v4 =	vadd.f32 v29, v4;
	v2 =	vadd.f32 v33, v2;
	v33 =	vld [tilespmem:$0x1FE30]  }
0xdf: {  	(xrf2) =	vadd.scan.msk.f32 $0xffff, v0;
	v60 =	vld [tilespmem:s26+$0x6B0];
	v43 =	vadd.f32 v40, v7;
	v7 =	vmul.f32 v54, v53;
	v52 =	vadd.f32 $0.0e+00, v8  }
0xe0: {  	(xrf2) =	vadd.scan.msk.f32 $0xffff, v1;
	v40 =	vld [tilespmem:$0x1FE60];
	v56 =	vadd.f32 v3, v48;
	v3 =	vmul.f32 v59, v58  }
0xe1: {  	(xrf2) =	vadd.scan.msk.f32 $0xffff, v4;
	v51 =	vadd.f32 v44, v43;
	v44 =	vld [tilespmem:$0x1FE80];
	v4 =	vadd.f32 v7, v52;
	v7 =	vmul.f32 v13, v61  }
0xe2: {  	v63 =	vadd.f32 $0.0e+00, v3;
	v3 =	vmul.f32 v12, v32;
	v12 =	vld [tilespmem:s26+$0x8760]  }
0xe3: {  	v18 =	vld [tilespmem:$0x1FEC0];
	(xrf2) =	vadd.scan.msk.f32 $0xffff, v36;
	v0 =	vadd.f32 v42, v39;
	v4 =	vadd.f32 v7, v4;
	v7 =	vmul.f32 v34, v33  }
0xe4: {  	v57 =	vmul.f32 v41, v38;
	v36 =	vld [tilespmem:$0x1FE50];
	(xrf2) =	vadd.scan.msk.f32 $0xffff, v2  }
0xe5: {  	v62 =	vld [tilespmem:s26+$0x86B0];
	v5 =	vmul.f32 v50, v47;
	(xrf2) =	vadd.scan.msk.f32 $0xffff, v0;
	v39 =	vadd.f32 $0.0e+00, v7;
	v7 =	vmul.f32 v15, v40  }
0xe6: {  	v10, _, _ =	vpop (xrf2);
	v46 =	vld [tilespmem:$0x1FEB0];
	v0 =	vadd.f32 v57, v56;
	(xrf2) =	vadd.scan.msk.f32 $0xffff, v51  }
0xe7: {  	v2, _, _ =	vpop (xrf2);
	v4 =	vadd.f32 v5, v4;
	v5 =	vadd.f32 v7, v39;
	v7 =	vmul.f32 v12, v44;
	v12 =	vld [tilespmem:$0x1FE90]  }
0xe8: {  	v35 =	vld [tilespmem:s26+$0x770];
	v13, _, _ =	vpop (xrf2)  }
0xe9: {  	v37 =	vld [tilespmem:s26+$0x8770];
	v1 =	vadd.f32 v3, v63;
	v3 =	vmul.f32 v55, v36;
	v14, _, _ =	vpop (xrf2);
	(xrf2) =	vadd.scan.msk.f32 $0xffff, v0  }
0xea: {  	v42 =	vld [tilespmem:s26+$0x87E0];
	v38, _, _ =	vpop (xrf2)  }
0xeb: {  	v41 =	vmul.f32 v62, v60;
	v1 =	vadd.f32 v3, v1;
	v16, _, _ =	vpop (xrf2);
	v15 =	vld [tilespmem:s26+$0x7E0]  }
0xec: {  	v3 =	vmul.f32 v18, v46;
	v18 =	vld [tilespmem:s26+$0x87F0];
	v43, _, _ =	vpop (xrf2);
	(xrf2) =	vadd.scan.msk.f32 $0xffff, v4;
	v12 =	vmul.f32 v17, v12  }
0xed: {  	v1 =	vadd.f32 v41, v1;
	v45, _, _ =	vpop (xrf2);
	v17 =	vld [tilespmem:s26+$0x7F0]  }
0xee: {  	v47 =	vmul.f32 v37, v35;
	v19, _, _ =	vpop (xrf2);
	v5 =	vadd.f32 v7, v5;
	v48 =	vadd.f32 $0.0e+00, v12  }
0xef: {  	(xrf2) =	vadd.scan.msk.f32 $0xffff, v1;
	v49, _, _ =	vpop (xrf2)  }
0xf0: {  	v51 =	vmul.f32 v42, v15;
	v50 =	vadd.f32 v47, v5;
	v52, _, _ =	vpop (xrf2);
	v3 =	vadd.f32 v3, v48  }
0xf1: {  	v53 =	vbroadcast v49, $0xF;
	v6 =	vbroadcast v52, $0xF  }
0xf2: {  	v54 =	vbroadcast v19, $0xF;
	(xrf2) =	vadd.scan.msk.f32 $0xffff, v50;
	v55 =	vmul.f32 v18, v17;
	v3 =	vadd.f32 v51, v3  }
0xf3: {  	v4 =	vbroadcast v45, $0xF;
	v57, _, _ =	vpop (xrf2);
	v56 =	vsel vm0, v53, v6  }
0xf4: {  	v6 =	vbroadcast v57, $0xF;
	v1 =	vsel vm1, v56, v54;
	v3 =	vadd.f32 v55, v3  }
0xf5: {  	v58 =	vbroadcast v43, $0xF;
	v1 =	vsel vm2, v1, v4  }
0xf6: {  	v59 =	vbroadcast v16, $0xF;
	v1 =	vsel vm3, v1, v6;
	v60, _, _ =	vpop (xrf2);
	(xrf2) =	vadd.scan.msk.f32 $0xffff, v3  }
0xf7: {  	v1 =	vsel vm4, v1, v58;
	v61 =	vbroadcast v60, $0xF  }
0xf8: {  	v0 =	vbroadcast v38, $0xF;
	v1 =	vsel vm5, v1, v59  }
0xf9: {  	v62 =	vbroadcast v14, $0xF;
	v63, _, _ =	vpop (xrf2);
	v1 =	vsel vm6, v1, v61  }
0xfa: {  	v6 =	vbroadcast v63, $0xF;
	v0 =	vsel vm7, v1, v0  }
0xfb: {  	v7 =	vbroadcast v13, $0xF;
	v0 =	vsel vm8, v0, v62  }
0xfc: {  	v8 =	vbroadcast v2, $0xF;
	v0 =	vsel vm9, v0, v6;
	v9, _, _ =	vpop (xrf2)  }
0xfd: {  	v0 =	vsel vm10, v0, v7;
	v2 =	vbroadcast v9, $0xF  }
0xfe: {  	v11 =	vbroadcast v10, $0xF;
	v0 =	vsel vm11, v0, v8  }
0xff: {  	v0 =	vsel vm12, v0, v2  }
0x100: {  	v0 =	vsel vm13, v0, v11;
	v32, _, _ =	vpop (xrf2)  }
0x101: {  	v0 =	vsel vm14, v0, v32  }
0x102: {  	v0 =	vsub.f32 $0.0e+00, v0;
	_ =	sdelay $0x1  }
0x103: {  	v0 =	vmul.f32 $1.442695020e+00, v0;
	_ =	sdelay $0x1  }
0x104: {  	(erf) = vpow2.f32 v0;
	_ =	sdelay $0x8  }
0x105: {  	v0 =	vpop (erf)  }
0x106: {  	v0 =	vadd.f32 $1.000000000e+00, v0;
	_ =	sdelay $0x1  }
0x107: {  	(erf) = vrcp.f32 v0;
	_ =	sdelay $0x8  }
0x108: {  	v0 =	vpop (erf)  }
0x109: {  	s24 =	simm.s32 $0x400;
	[tilespmem:s2+$0x0] =	vst v0  }
0x10a: {  	v22 =	vld [tilespmem:s24+$0x7B0]  }
0x10b: {  	v53 =	vld [tilespmem:s24+$0x87B0]  }
0x10c: {  	v17 =	vld [tilespmem:s24+$0x7D0]  }
0x10d: {  	v0 =	vld [tilespmem:s24+$0x87D0]  }
0x10e: {  	v3 =	vld [tilespmem:s24+$0x7A0]  }
0x10f: {  	v29 =	vld [tilespmem:s24+$0x87A0]  }
0x110: {  	v33 =	vld [tilespmem:s24+$0x7C0]  }
0x111: {  	v34 =	vld [tilespmem:s24+$0x87C0]  }
0x112: {  	v21 =	vld [tilespmem:s24+$0x730]  }
0x113: {  	v24 =	vld [tilespmem:s24+$0x8730]  }
0x114: {  	v35 =	vld [tilespmem:s24+$0x760]  }
0x115: {  	v27 =	vld [tilespmem:s24+$0x790]  }
0x116: {  	v8 =	vld [tilespmem:s24+$0x6F0]  }
0x117: {  	v10 =	vld [tilespmem:s24+$0x86F0]  }
0x118: {  	v52 =	vld [tilespmem:s24+$0x720]  }
0x119: {  	v37 =	vld [tilespmem:s24+$0x8720]  }
0x11a: {  	v36 =	vld [tilespmem:s24+$0x750]  }
0x11b: {  	v38 =	vld [tilespmem:s24+$0x8750]  }
0x11c: {  	v23 =	vld [tilespmem:s24+$0x780]  }
0x11d: {  	v39 =	vld [tilespmem:s24+$0x6E0]  }
0x11e: {  	v61 =	vld [tilespmem:s24+$0x86E0]  }
0x11f: {  	v43 =	vld [tilespmem:s24+$0x710]  }
0x120: {  	v44 =	vld [tilespmem:s24+$0x8710]  }
0x121: {  	v40 =	vld [tilespmem:s24+$0x740]  }
0x122: {  	v41 =	vld [tilespmem:s24+$0x8740]  }
0x123: {  	v6 =	vld [tilespmem:s24+$0x670]  }
0x124: {  	v7 =	vld [tilespmem:s24+$0x8670]  }
0x125: {  	v42 =	vld [tilespmem:s24+$0x6A0]  }
0x126: {  	v32 =	vld [tilespmem:s24+$0x6D0]  }
0x127: {  	v48 =	vld [tilespmem:s24+$0x86D0]  }
0x128: {  	v49 =	vld [tilespmem:s24+$0x700]  }
0x129: {  	v50 =	vld [tilespmem:s24+$0x8700]  }
0x12a: {  	v9 =	vld [tilespmem:s24+$0x630]  }
0x12b: {  	v11 =	vld [tilespmem:s24+$0x8630]  }
0x12c: {  	v45 =	vld [tilespmem:s24+$0x660]  }
0x12d: {  	v62 =	vld [tilespmem:s24+$0x8660]  }
0x12e: {  	v46 =	vld [tilespmem:s24+$0x690]  }
0x12f: {  	v47 =	vld [tilespmem:s24+$0x8690]  }
0x130: {  	v55 =	vld [tilespmem:s24+$0x6C0]  }
0x131: {  	v56 =	vld [tilespmem:s24+$0x86C0]  }
0x132: {  	v51 =	vld [tilespmem:s24+$0x620]  }
0x133: {  	v58 =	vld [tilespmem:s24+$0x8620]  }
0x134: {  	v59 =	vld [tilespmem:s24+$0x650]  }
0x135: {  	v60 =	vld [tilespmem:s24+$0x8650]  }
0x136: {  	v54 =	vld [tilespmem:s24+$0x680]  }
0x137: {  	v57 =	vld [tilespmem:s24+$0x8680]  }
0x138: {  	v12 =	vld [tilespmem:s24+$0x5B0]  }
0x139: {  	v13 =	vld [tilespmem:s24+$0x85B0]  }
0x13a: {  	v63 =	vld [tilespmem:s24+$0x5E0]  }
0x13b: {  	v4 =	vld [tilespmem:s24+$0x570]  }
0x13c: {  	v5 =	vld [tilespmem:s24+$0x8570]  }
0x13d: {  	v2 =	vld [tilespmem:s24+$0x85A0]  }
0x13e: {  	v15 =	vld [tilespmem:s24+$0x5D0]  }
0x13f: {  	v16 =	vld [tilespmem:s24+$0x85D0]  }
0x140: {  	v1 =	vld [tilespmem:s24+$0x600]  }
0x141: {  	v14 =	vld [tilespmem:s24+$0x560]  }
0x142: {  	v18 =	vld [tilespmem:s24+$0x5C0]  }
0x143: {  	v19 =	vld [tilespmem:s24+$0x85C0]  }
0x144: {  	v26 =	vld [tilespmem:s24+$0x84F0]  }
0x145: {  	v20 =	vld [tilespmem:s24+$0x520]  }
0x146: {  	v25 =	vld [tilespmem:s24+$0x4B0]  }
0x147: {  	v28 =	vld [tilespmem:s24+$0x84B0]  }
0x148: {  	v30 =	vld [tilespmem:s24+$0x4E0]  }
0x149: {  	v31 =	vld [tilespmem:s24+$0x84E0]  }
0x14a: {  	[tilespmem:$0x1FEF0] =	vst v34;
	v34 =	vld [tilespmem:s24+$0x8790]  }
0x14b: {  	[tilespmem:$0x1FF00] =	vst v35;
	v35 =	vld [tilespmem:s24+$0x8780]  }
0x14c: {  	[tilespmem:$0x1FFA0] =	vst v63;
	v63 =	vld [tilespmem:s24+$0x610]  }
0x14d: {  	[tilespmem:$0x1FF60] =	vst v46;
	v46 =	vld [tilespmem:s24+$0x8610]  }
0x14e: {  	[tilespmem:$0x1FF10] =	vst v36;
	v36 =	vld [tilespmem:s24+$0x640]  }
0x14f: {  	[tilespmem:$0x1FEE0] =	vst v33;
	v33 =	vld [tilespmem:s24+$0x8640]  }
0x150: {  	[tilespmem:$0x1FF90] =	vst v57;
	v57 =	vld [tilespmem:s24+$0x5A0]  }
0x151: {  	[tilespmem:$0x1FED0] =	vst v0;
	v0 =	vld [tilespmem:s24+$0x8600]  }
0x152: {  	[tilespmem:$0x1FFE0] =	vst v14;
	v14 =	vld [tilespmem:s24+$0x8560]  }
0x153: {  	[tilespmem:$0x1FFC0] =	vst v45;
	v45 =	vld [tilespmem:s24+$0x590]  }
0x154: {  	[tilespmem:$0x1FF50] =	vst v42;
	v42 =	vld [tilespmem:s24+$0x8590]  }
0x155: {  	[tilespmem:$0x1FF80] =	vst v54;
	v54 =	vld [tilespmem:s24+$0x4F0]  }
0x156: {  	[tilespmem:$0x1FFD0] =	vst v51;
	v51 =	vld [tilespmem:s24+$0x550]  }
0x157: {  	[tilespmem:$0x1FF70] =	vst v47;
	v47 =	vld [tilespmem:s24+$0x8550]  }
0x158: {  	[tilespmem:$0x1FF30] =	vst v40;
	v40 =	vld [tilespmem:s24+$0x580]  }
0x159: {  	[tilespmem:$0x1FF20] =	vst v38;
	v38 =	vld [tilespmem:s24+$0x8580]  }
0x15a: {  	[tilespmem:$0x1FF40] =	vst v41;
	v41 =	vld [tilespmem:s24+$0x540]  }
0x15b: {  	[tilespmem:$0x1FFB0] =	vst v39;
	v39 =	vld [tilespmem:s24+$0x8540];
	v49 =	vmul.f32 v50, v49  }
0x15c: {  	v3 =	vmul.f32 v29, v3;
	v29 =	vld [tilespmem:s24+$0x8430];
	v43 =	vmul.f32 v44, v43  }
0x15d: {  	v55 =	vmul.f32 v56, v55;
	v37 =	vmul.f32 v37, v52;
	v52 =	vld [tilespmem:s24+$0x84D0]  }
0x15e: {  	v56 =	vmul.f32 v53, v22;
	v48 =	vmul.f32 v48, v32;
	v32 =	vld [tilespmem:s24+$0x500];
	v44 =	vadd.f32 $0.0e+00, v49  }
0x15f: {  	v53 =	vmul.f32 v24, v21;
	v21 =	vld [tilespmem:$0x1FFB0];
	v49 =	vadd.f32 $0.0e+00, v55;
	v35 =	vmul.f32 v35, v23  }
0x160: {  	v43 =	vadd.f32 v43, v44;
	v44 =	vld [tilespmem:s24+$0x4D0]  }
0x161: {  	v48 =	vadd.f32 v48, v49;
	v49 =	vld [tilespmem:$0x1FFC0];
	v34 =	vmul.f32 v34, v27;
	v35 =	vadd.f32 $0.0e+00, v35  }
0x162: {  	[tilespmem:$0x1FFF0] =	vst v14;
	v14 =	vld [tilespmem:s24+$0x510]  }
0x163: {  	v23 =	vld [tilespmem:s24+$0x8510];
	v35 =	vadd.f32 v34, v35  }
0x164: {  	v27 =	vld [tilespmem:s24+$0x430]  }
0x165: {  	v60 =	vmul.f32 v60, v59;
	v55 =	vmul.f32 v33, v36;
	v33 =	vld [tilespmem:s24+$0x8500];
	v50 =	vadd.f32 v3, v35  }
0x166: {  	v8 =	vmul.f32 v10, v8;
	v36 =	vld [tilespmem:s24+$0x420];
	v10 =	vmul.f32 v46, v63  }
0x167: {  	v46 =	vld [tilespmem:s24+$0x490];
	v50 =	vadd.f32 v56, v50;
	v56 =	vmul.f32 v61, v21;
	v61 =	vadd.f32 $0.0e+00, v55  }
0x168: {  	v63 =	vld [tilespmem:s24+$0x84C0]  }
0x169: {  	v0 =	vmul.f32 v0, v1;
	v37 =	vadd.f32 v37, v43;
	v1 =	vadd.f32 v60, v61;
	v61 =	vld [tilespmem:$0x1FFD0]  }
0x16a: {  	v55 =	vld [tilespmem:s24+$0x4C0]  }
0x16b: {  	v42 =	vmul.f32 v42, v45;
	v45 =	vld [tilespmem:s24+$0x480];
	v41 =	vmul.f32 v39, v41;
	v43 =	vadd.f32 v53, v37  }
0x16c: {  	v39 =	vld [tilespmem:s24+$0x8490];
	v0 =	vadd.f32 $0.0e+00, v0;
	(xrf2) =	vadd.scan.msk.f32 $0xffff, v50  }
0x16d: {  	v38 =	vmul.f32 v38, v40;
	v2 =	vmul.f32 v2, v57;
	v57 =	vadd.f32 $0.0e+00, v41;
	v41 =	vld [tilespmem:s24+$0x8400];
	(xrf2) =	vadd.scan.msk.f32 $0xffff, v43  }
0x16e: {  	v37 =	vld [tilespmem:s24+$0x8420];
	v53 =	vmul.f32 v62, v49;
	v0 =	vadd.f32 v10, v0;
	v62 =	vmul.f32 v58, v61  }
0x16f: {  	v38 =	vadd.f32 $0.0e+00, v38;
	v61 =	vmul.f32 v63, v55;
	v63 =	vld [tilespmem:$0x1FFF0]  }
0x170: {  	v48 =	vadd.f32 v56, v48;
	v0 =	vadd.f32 v62, v0;
	v62 =	vld [tilespmem:$0x1FFE0]  }
0x171: {  	v47 =	vmul.f32 v47, v51;
	v10 =	vld [tilespmem:s24+$0x8480];
	v42 =	vadd.f32 v42, v38  }
0x172: {  	v34 =	vld [tilespmem:s24+$0x4A0];
	v48 =	vadd.f32 v8, v48;
	v1 =	vadd.f32 v53, v1;
	v8 =	vmul.f32 v7, v6  }
0x173: {  	v38 =	vld [tilespmem:s24+$0x410];
	v49 =	vadd.f32 v47, v57;
	v56 =	vmul.f32 v11, v9  }
0x174: {  	v47 =	vld [tilespmem:s24+$0x400];
	v59 =	vadd.f32 v2, v42;
	v60 =	vmul.f32 v13, v12;
	v1 =	vadd.f32 v8, v1  }
0x175: {  	v35 =	vld [tilespmem:s24+$0x84A0];
	(xrf2) =	vadd.scan.msk.f32 $0xffff, v48;
	v58 =	vadd.f32 v56, v0;
	v3 =	vmul.f32 v63, v62  }
0x176: {  	v50 =	vmul.f32 v10, v45;
	v45 =	vld [tilespmem:s24+$0x440];
	v40 =	vadd.f32 v60, v59;
	v48 =	vmul.f32 v52, v44;
	(xrf2) =	vadd.scan.msk.f32 $0xffff, v1;
	v52, _, _ =	vpop (xrf2)  }
0x177: {  	s25 =	simm.s32 $0x10400;
	s26 =	simm.s32 $0x2000;
	v42 =	vmul.f32 v5, v4;
	v44 =	vld [tilespmem:s24+$0x8410];
	v51 =	vadd.f32 $0.0e+00, v61;
	(xrf2) =	vadd.scan.msk.f32 $0xffff, v58;
	v21, _, _ =	vpop (xrf2);
	v49 =	vadd.f32 v3, v49  }
.LBB2_2:
0x178: {  	v43 =	vld [tilespmem:s24+$0x8440]  }
0x179: {  	v55 =	vld [tilespmem:s24+$0x450]  }
0x17a: {  	v56 =	vld [tilespmem:s24+$0x8450]  }
0x17b: {  	v58 =	vld [tilespmem:s24+$0x8460]  }
0x17c: {  	v60 =	vld [tilespmem:s24+$0x470]  }
0x17d: {  	v62 =	vld [tilespmem:s24+$0x8470]  }
0x17e: {  	v4 =	vld [tilespmem:s24+$0x8520]  }
0x17f: {  	v6 =	vld [tilespmem:s24+$0x530]  }
0x180: {  	v7 =	vld [tilespmem:s24+$0x8530]  }
0x181: {  	v15 =	vmul.f32 v16, v15;
	v16 =	vld [tilespmem:s24+$0x86A0]  }
0x182: {  	v9 =	vld [tilespmem:$0x1FF80]  }
0x183: {  	v10 =	vld [tilespmem:$0x1FF90]  }
0x184: {  	v13 =	vld [tilespmem:s24+$0x6B0]  }
0x185: {  	v11 =	vld [tilespmem:$0x1FFA0];
	v31 =	vmul.f32 v31, v30  }
0x186: {  	v48 =	vadd.f32 v48, v51;
	(xrf2) =	vadd.scan.msk.f32 $0xffff, v40;
	v40 =	vld [tilespmem:$0x1FF20];
	v39 =	vmul.f32 v39, v46;
	v41 =	vmul.f32 v41, v47  }
0x187: {  	v50 =	vadd.f32 $0.0e+00, v50;
	v0 =	vmul.f32 v26, v54;
	v26 =	vld [tilespmem:s24+$0x460];
	v34 =	vmul.f32 v35, v34  }
0x188: {  	v42 =	vadd.f32 v42, v49;
	v1 =	vmul.f32 v44, v38;
	v22 =	vmul.f32 v23, v14;
	v23 =	vld [tilespmem:s24+$0x85E0]  }
0x189: {  	v27 =	vmul.f32 v29, v27;
	v18 =	vmul.f32 v19, v18;
	v19 =	vld [tilespmem:s24+$0x5F0];
	v31 =	vadd.f32 v31, v48  }
0x18a: {  	v29 =	vmul.f32 v33, v32;
	v32 =	vld [tilespmem:$0x1FF60];
	v39 =	vadd.f32 v39, v50;
	v57 =	vadd.f32 $0.0e+00, v41  }
0x18b: {  	v25 =	vmul.f32 v28, v25;
	v33 =	vld [tilespmem:$0x1FF70];
	v30, _, _ =	vpop (xrf2);
	(xrf2) =	vadd.scan.msk.f32 $0xffff, v42;
	v59 =	vmul.f32 v43, v45;
	v31 =	vadd.f32 v0, v31  }
0x18c: {  	v61 =	vmul.f32 v37, v36;
	v35 =	vld [tilespmem:$0x1FF30];
	v34 =	vadd.f32 v34, v39;
	v28 =	vadd.f32 v1, v57  }
0x18d: {  	v36 =	vld [tilespmem:$0x1FF40];
	v63 =	vmul.f32 v56, v55;
	v24, _, _ =	vpop (xrf2);
	(xrf2) =	vadd.scan.msk.f32 $0xffff, v31;
	v31 =	vadd.f32 $0.0e+00, v59  }
0x18e: {  	v37 =	vld [tilespmem:$0x1FF50];
	v25 =	vadd.f32 v25, v34;
	v5 =	vadd.f32 v61, v28  }
0x18f: {  	v44 =	vld [tilespmem:$0x1FEF0];
	v26 =	vmul.f32 v58, v26;
	v31 =	vadd.f32 v63, v31  }
0x190: {  	v47 =	vld [tilespmem:$0x1FED0];
	v38, _, _ =	vpop (xrf2);
	(xrf2) =	vadd.scan.msk.f32 $0xffff, v25;
	v25 =	vadd.f32 v27, v5;
	v27 =	vadd.f32 $0.0e+00, v29  }
0x191: {  	v42 =	vld [tilespmem:$0x1FF00];
	v29 =	vmul.f32 v62, v60;
	v8 =	vadd.f32 v26, v31  }
0x192: {  	v20 =	vmul.f32 v4, v20;
	v12 =	vmul.f32 v10, v9;
	v22 =	vadd.f32 v22, v27;
	v27 =	vld [tilespmem:s24+$0x85F0]  }
0x193: {  	v43 =	vld [tilespmem:$0x1FEE0];
	v18 =	vadd.f32 $0.0e+00, v18;
	v28, _, _ =	vpop (xrf2);
	(xrf2) =	vadd.scan.msk.f32 $0xffff, v25;
	v25 =	vadd.f32 v29, v8  }
0x194: {  	v2 =	vmul.f32 v7, v6;
	v12 =	vadd.f32 $0.0e+00, v12;
	v39 =	vld [tilespmem:$0x1FF10];
	v20 =	vadd.f32 v20, v22  }
0x195: {  	v15 =	vadd.f32 v15, v18;
	v18 =	vld [tilespmem:s24+$0x86B0];
	v14 =	vmul.f32 v23, v11;
	v10 =	vmul.f32 v33, v32;
	v26, _, _ =	vpop (xrf2);
	(xrf2) =	vadd.scan.msk.f32 $0xffff, v25  }
0x196: {  	v11 =	vld [tilespmem:s24+$0x8760];
	v7 =	vmul.f32 v36, v35;
	v20 =	vadd.f32 v2, v20  }
0x197: {  	v14 =	vadd.f32 v14, v15;
	v10 =	vadd.f32 v10, v12;
	v12 =	vld [tilespmem:s24+$0x8770];
	v34 =	vmul.f32 v27, v19  }
0x198: {  	v9 =	vmul.f32 v16, v37;
	v8 =	vld [tilespmem:s24+$0x770];
	v22, _, _ =	vpop (xrf2);
	(xrf2) =	vadd.scan.msk.f32 $0xffff, v20  }
0x199: {  	v6 =	vld [tilespmem:s24+$0x7E0];
	v7 =	vadd.f32 $0.0e+00, v7;
	v5 =	vmul.f32 v40, v39;
	v14 =	vadd.f32 v34, v14  }
0x19a: {  	v16 =	vadd.f32 v9, v10;
	v41 =	vmul.f32 v18, v13;
	v13 =	vld [tilespmem:s24+$0x87E0]  }
0x19b: {  	v3 =	vld [tilespmem:s24+$0x7F0];
	v45 =	vmul.f32 v44, v43;
	v4 =	vmul.f32 v11, v42;
	v5 =	vadd.f32 v5, v7;
	v15, _, _ =	vpop (xrf2);
	(xrf2) =	vadd.scan.msk.f32 $0xffff, v14  }
0x19c: {  	v48 =	vld [tilespmem:s24+$0x87F0];
	v0 =	vmul.f32 v47, v17;
	v46 =	vadd.f32 v41, v16  }
0x19d: {  	v4 =	vadd.f32 v4, v5;
	v2 =	vadd.f32 $0.0e+00, v45;
	v8 =	vmul.f32 v12, v8  }
0x19e: {  	v49, _, _ =	vpop (xrf2);
	(xrf2) =	vadd.scan.msk.f32 $0xffff, v46  }
0x19f: {  	v50 =	vmul.f32 v13, v6;
	v0 =	vadd.f32 v0, v2;
	v8 =	vadd.f32 v8, v4;
	v51, _, _ =	vpop (xrf2)  }
0x1a0: {  	v53 =	vbroadcast v49, $0xF;
	v5 =	vbroadcast v51, $0xF  }
0x1a1: {  	v1 =	vmul.f32 v48, v3;
	v0 =	vadd.f32 v50, v0;
	v54 =	vbroadcast v15, $0xF;
	(xrf2) =	vadd.scan.msk.f32 $0xffff, v8  }
0x1a2: {  	v56 =	vbroadcast v22, $0xF;
	v57, _, _ =	vpop (xrf2);
	v55 =	vsel vm0, v53, v5  }
0x1a3: {  	v0 =	vadd.f32 v1, v0;
	v58 =	vbroadcast v57, $0xF;
	v2 =	vsel vm1, v55, v54  }
0x1a4: {  	v60 =	vbroadcast v26, $0xF;
	v59 =	vsel vm2, v2, v56  }
0x1a5: {  	v61 =	vbroadcast v28, $0xF;
	v62, _, _ =	vpop (xrf2);
	(xrf2) =	vadd.scan.msk.f32 $0xffff, v0;
	v1 =	vsel vm3, v59, v58  }
0x1a6: {  	v6 =	vbroadcast v62, $0xF;
	v63 =	vsel vm4, v1, v60  }
0x1a7: {  	v7 =	vbroadcast v38, $0xF;
	v0 =	vsel vm5, v63, v61  }
0x1a8: {  	v8 =	vbroadcast v24, $0xF;
	v9, _, _ =	vpop (xrf2);
	v0 =	vsel vm6, v0, v6  }
0x1a9: {  	v10 =	vbroadcast v9, $0xF;
	v0 =	vsel vm7, v0, v7  }
0x1aa: {  	v11 =	vbroadcast v30, $0xF;
	v0 =	vsel vm8, v0, v8  }
0x1ab: {  	v32 =	vbroadcast v21, $0xF;
	v33, _, _ =	vpop (xrf2);
	v0 =	vsel vm9, v0, v10  }
0x1ac: {  	v3 =	vbroadcast v33, $0xF;
	v0 =	vsel vm10, v0, v11  }
0x1ad: {  	v34 =	vbroadcast v52, $0xF;
	v0 =	vsel vm11, v0, v32  }
0x1ae: {  	v0 =	vsel vm12, v0, v3  }
0x1af: {  	v35, _, _ =	vpop (xrf2);
	v0 =	vsel vm13, v0, v34  }
0x1b0: {  	v0 =	vsel vm14, v0, v35  }
0x1b1: {  	v0 =	vsub.f32 $0.0e+00, v0;
	_ =	sdelay $0x1  }
0x1b2: {  	v0 =	vmul.f32 $1.442695020e+00, v0;
	_ =	sdelay $0x1  }
0x1b3: {  	(erf) = vpow2.f32 v0;
	_ =	sdelay $0x8  }
0x1b4: {  	v0 =	vpop (erf)  }
0x1b5: {  	v0 =	vadd.f32 $1.000000000e+00, v0;
	_ =	sdelay $0x1  }
0x1b6: {  	(erf) = vrcp.f32 v0;
	_ =	sdelay $0x8  }
0x1b7: {  	s25 =	sadd.s32 $0x10, s25;
	v0 =	vpop (erf)  }
0x1b8: {  	s24 =	sshra.s32 s26, $0x2;
	[tilespmem:s25+$0x0] =	vst v0  }
0x1b9: {  	v32 =	vld [tilespmem:s24+$0x7B0]  }
0x1ba: {  	v35 =	vld [tilespmem:s24+$0x87B0]  }
0x1bb: {  	v0 =	vld [tilespmem:s24+$0x7D0]  }
0x1bc: {  	v36 =	vld [tilespmem:s24+$0x87D0]  }
0x1bd: {  	v29 =	vld [tilespmem:s24+$0x7A0]  }
0x1be: {  	v34 =	vld [tilespmem:s24+$0x87A0]  }
0x1bf: {  	v37 =	vld [tilespmem:s24+$0x7C0]  }
0x1c0: {  	v38 =	vld [tilespmem:s24+$0x87C0]  }
0x1c1: {  	v33 =	vld [tilespmem:s24+$0x730]  }
0x1c2: {  	v39 =	vld [tilespmem:s24+$0x760]  }
0x1c3: {  	v27 =	vld [tilespmem:s24+$0x790]  }
0x1c4: {  	v52 =	vld [tilespmem:s24+$0x8790]  }
0x1c5: {  	v40 =	vld [tilespmem:s24+$0x6F0]  }
0x1c6: {  	v41 =	vld [tilespmem:s24+$0x86F0]  }
0x1c7: {  	v47 =	vld [tilespmem:s24+$0x720]  }
0x1c8: {  	v48 =	vld [tilespmem:s24+$0x8720]  }
0x1c9: {  	v42 =	vld [tilespmem:s24+$0x750]  }
0x1ca: {  	v43 =	vld [tilespmem:s24+$0x8750]  }
0x1cb: {  	v23 =	vld [tilespmem:s24+$0x780]  }
0x1cc: {  	v62 =	vld [tilespmem:s24+$0x8780]  }
0x1cd: {  	v46 =	vld [tilespmem:s24+$0x86E0]  }
0x1ce: {  	v57 =	vld [tilespmem:s24+$0x710]  }
0x1cf: {  	v60 =	vld [tilespmem:s24+$0x8710]  }
0x1d0: {  	v44 =	vld [tilespmem:s24+$0x740]  }
0x1d1: {  	v45 =	vld [tilespmem:s24+$0x8740]  }
0x1d2: {  	v49 =	vld [tilespmem:s24+$0x6A0]  }
0x1d3: {  	v58 =	vld [tilespmem:s24+$0x6D0]  }
0x1d4: {  	v61 =	vld [tilespmem:s24+$0x86D0]  }
0x1d5: {  	v63 =	vld [tilespmem:s24+$0x700]  }
0x1d6: {  	v50 =	vld [tilespmem:s24+$0x630]  }
0x1d7: {  	v51 =	vld [tilespmem:s24+$0x8630]  }
0x1d8: {  	v53 =	vld [tilespmem:s24+$0x690]  }
0x1d9: {  	v54 =	vld [tilespmem:s24+$0x8690]  }
0x1da: {  	v1 =	vld [tilespmem:s24+$0x6C0]  }
0x1db: {  	v2 =	vld [tilespmem:s24+$0x86C0]  }
0x1dc: {  	v3 =	vld [tilespmem:s24+$0x650]  }
0x1dd: {  	v4 =	vld [tilespmem:s24+$0x8650]  }
0x1de: {  	v55 =	vld [tilespmem:s24+$0x680]  }
0x1df: {  	v56 =	vld [tilespmem:s24+$0x8680]  }
0x1e0: {  	v59 =	vld [tilespmem:s24+$0x5E0]  }
0x1e1: {  	v5 =	vld [tilespmem:s24+$0x610]  }
0x1e2: {  	v6 =	vld [tilespmem:s24+$0x8610]  }
0x1e3: {  	v7 =	vld [tilespmem:s24+$0x640]  }
0x1e4: {  	v8 =	vld [tilespmem:s24+$0x8640]  }
0x1e5: {  	v21 =	vld [tilespmem:s24+$0x5D0]  }
0x1e6: {  	v9 =	vld [tilespmem:s24+$0x600]  }
0x1e7: {  	v10 =	vld [tilespmem:s24+$0x8600]  }
0x1e8: {  	v11 =	vld [tilespmem:s24+$0x590]  }
0x1e9: {  	v12 =	vld [tilespmem:s24+$0x8590]  }
0x1ea: {  	v22 =	vld [tilespmem:s24+$0x5C0]  }
0x1eb: {  	v19 =	vld [tilespmem:s24+$0x85C0]  }
0x1ec: {  	v26 =	vld [tilespmem:s24+$0x84F0]  }
0x1ed: {  	v20 =	vld [tilespmem:s24+$0x520]  }
0x1ee: {  	v13 =	vld [tilespmem:s24+$0x550]  }
0x1ef: {  	v24 =	vld [tilespmem:s24+$0x8550]  }
0x1f0: {  	v15 =	vld [tilespmem:s24+$0x580]  }
0x1f1: {  	v16 =	vld [tilespmem:s24+$0x8580]  }
0x1f2: {  	v25 =	vld [tilespmem:s24+$0x4B0]  }
0x1f3: {  	v28 =	vld [tilespmem:s24+$0x84B0]  }
0x1f4: {  	v30 =	vld [tilespmem:s24+$0x4E0]  }
0x1f5: {  	v31 =	vld [tilespmem:s24+$0x84E0]  }
0x1f6: {  	v14 =	vld [tilespmem:s24+$0x510]  }
0x1f7: {  	v18 =	vld [tilespmem:s24+$0x540]  }
0x1f8: {  	v17 =	vld [tilespmem:s24+$0x8540]  }
0x1f9: {  	[tilespmem:$0x1FED0] =	vst v36;
	v36 =	vld [tilespmem:s24+$0x8730]  }
0x1fa: {  	[tilespmem:$0x1FEE0] =	vst v37;
	v37 =	vld [tilespmem:s24+$0x6E0]  }
0x1fb: {  	[tilespmem:$0x1FF00] =	vst v39;
	v39 =	vld [tilespmem:s24+$0x670]  }
0x1fc: {  	[tilespmem:$0x1FD50] =	vst v41;
	v41 =	vld [tilespmem:s24+$0x8670]  }
0x1fd: {  	[tilespmem:$0x1FD60] =	vst v0;
	v0 =	vld [tilespmem:s24+$0x8700]  }
0x1fe: {  	[tilespmem:$0x1FD80] =	vst v51;
	v51 =	vld [tilespmem:s24+$0x660]  }
0x1ff: {  	[tilespmem:$0x1FEF0] =	vst v38;
	v38 =	vld [tilespmem:s24+$0x8660]  }
0x200: {  	[tilespmem:$0x1FF50] =	vst v49;
	v49 =	vld [tilespmem:s24+$0x620]  }
0x201: {  	[tilespmem:$0x1FD70] =	vst v50;
	v50 =	vld [tilespmem:s24+$0x8620]  }
0x202: {  	[tilespmem:$0x1FF30] =	vst v44;
	v44 =	vld [tilespmem:s24+$0x5B0]  }
0x203: {  	[tilespmem:$0x1FF40] =	vst v45;
	v45 =	vld [tilespmem:s24+$0x85B0]  }
0x204: {  	[tilespmem:$0x1FF10] =	vst v42;
	v42 =	vld [tilespmem:s24+$0x570]  }
0x205: {  	[tilespmem:$0x1FF20] =	vst v43;
	v43 =	vld [tilespmem:s24+$0x8570]  }
0x206: {  	[tilespmem:$0x1FF90] =	vst v56;
	v56 =	vld [tilespmem:s24+$0x5A0]  }
0x207: {  	[tilespmem:$0x1FFA0] =	vst v59;
	v59 =	vld [tilespmem:s24+$0x85A0]  }
0x208: {  	[tilespmem:$0x1FF60] =	vst v53;
	v53 =	vld [tilespmem:s24+$0x85D0]  }
0x209: {  	[tilespmem:$0x1FD40] =	vst v40;
	v40 =	vld [tilespmem:s24+$0x560]  }
0x20a: {  	[tilespmem:$0x1FF80] =	vst v55;
	v55 =	vld [tilespmem:s24+$0x8560]  }
0x20b: {  	[tilespmem:$0x1FF70] =	vst v54;
	v54 =	vld [tilespmem:s24+$0x4F0]  }
0x20c: {  	v62 =	vmul.f32 v62, v23;
	v23 =	vld [tilespmem:s24+$0x8510]  }
0x20d: {  	v52 =	vmul.f32 v52, v27;
	v27 =	vld [tilespmem:s24+$0x430];
	v57 =	vmul.f32 v60, v57  }
0x20e: {  	v1 =	vmul.f32 v2, v1;
	v32 =	vmul.f32 v35, v32;
	v35 =	vld [tilespmem:s24+$0x84A0];
	v62 =	vadd.f32 $0.0e+00, v62  }
0x20f: {  	v47 =	vmul.f32 v48, v47;
	v48 =	vld [tilespmem:s24+$0x4D0];
	v60 =	vmul.f32 v61, v58  }
0x210: {  	v1 =	vadd.f32 $0.0e+00, v1;
	v52 =	vadd.f32 v52, v62;
	v62 =	vmul.f32 v34, v29;
	v29 =	vld [tilespmem:s24+$0x8430]  }
0x211: {  	v34 =	vld [tilespmem:s24+$0x4A0]  }
0x212: {  	v1 =	vadd.f32 v60, v1;
	v60 =	vmul.f32 v6, v5;
	v5 =	vld [tilespmem:s24+$0x4C0];
	v0 =	vmul.f32 v0, v63  }
0x213: {  	v61 =	vmul.f32 v36, v33;
	v33 =	vld [tilespmem:s24+$0x8500]  }
0x214: {  	v36 =	vld [tilespmem:s24+$0x420];
	v0 =	vadd.f32 $0.0e+00, v0  }
0x215: {  	v7 =	vmul.f32 v8, v7;
	v37 =	vmul.f32 v46, v37;
	v46 =	vld [tilespmem:$0x1FD40];
	v63 =	vadd.f32 v62, v52  }
0x216: {  	v52 =	vmul.f32 v38, v51;
	v51 =	vmul.f32 v17, v18;
	v17 =	vld [tilespmem:$0x1FD60];
	v0 =	vadd.f32 v57, v0  }
0x217: {  	v3 =	vmul.f32 v4, v3;
	v62 =	vadd.f32 $0.0e+00, v7;
	v38 =	vld [tilespmem:s24+$0x410];
	v2 =	vadd.f32 v32, v63  }
0x218: {  	v1 =	vadd.f32 v37, v1;
	v37 =	vld [tilespmem:s24+$0x8420];
	v0 =	vadd.f32 v47, v0  }
0x219: {  	(xrf2) =	vadd.scan.msk.f32 $0xffff, v2;
	v2 =	vadd.f32 v3, v62;
	v47 =	vld [tilespmem:$0x1FD50]  }
0x21a: {  	v32 =	vld [tilespmem:s24+$0x500];
	v0 =	vadd.f32 v61, v0  }
0x21b: {  	v63 =	vmul.f32 v10, v9;
	v2 =	vadd.f32 v52, v2;
	v52 =	vld [tilespmem:$0x1FD70]  }
0x21c: {  	v61 =	vmul.f32 v16, v15;
	v16 =	vmov v53;
	v53 =	vld [tilespmem:$0x1FD80];
	(xrf2) =	vadd.scan.msk.f32 $0xffff, v0  }
0x21d: {  	v9 =	vld [tilespmem:s24+$0x8480];
	v58 =	vadd.f32 $0.0e+00, v63;
	v62 =	vmul.f32 v41, v39  }
0x21e: {  	v42 =	vmul.f32 v43, v42;
	v63 =	vld [tilespmem:s24+$0x84C0];
	v7 =	vmul.f32 v47, v46  }
0x21f: {  	v57 =	vld [tilespmem:s24+$0x84D0];
	v2 =	vadd.f32 v62, v2;
	v0 =	vadd.f32 v60, v58;
	v47 =	vmul.f32 v50, v49  }
0x220: {  	v39 =	vld [tilespmem:s24+$0x8490];
	v49 =	vadd.f32 $0.0e+00, v61;
	v50 =	vmul.f32 v12, v11;
	v1 =	vadd.f32 v7, v1  }
0x221: {  	p0 =	sne.s32 s26, $0x1F000;
	v3 =	vld [tilespmem:s24+$0x480];
	v58 =	vmul.f32 v59, v56;
	v0 =	vadd.f32 v47, v0;
	v4 =	vmul.f32 v53, v52  }
.Ltmp0:
0x222: {  	v41 =	vld [tilespmem:s24+$0x8400];
	v59 =	vadd.f32 $0.0e+00, v51;
	v60 =	vmul.f32 v24, v13;
	(xrf2) =	vadd.scan.msk.f32 $0xffff, v1;
	v1 =	vadd.f32 v50, v49;
	(pc) =	sbr.rel @p0 .LBB2_2-.Ltmp0, $4  }
0x223: {  	v18 =	vmovc v22;
	v62 =	vmul.f32 v45, v44;
	v44 =	vld [tilespmem:s24+$0x8410];
	v61 =	vmul.f32 v63, v5;
	v0 =	vadd.f32 v4, v0  }
0x224: {  	v45 =	vld [tilespmem:s24+$0x440];
	v63 =	vmul.f32 v55, v40;
	(xrf2) =	vadd.scan.msk.f32 $0xffff, v2;
	v2 =	vadd.f32 v60, v59;
	v1 =	vadd.f32 v58, v1  }
0x225: {  	v15 =	vmov v21;
	v48 =	vmul.f32 v57, v48;
	v46 =	vld [tilespmem:s24+$0x490];
	v51 =	vadd.f32 $0.0e+00, v61;
	v52, _, _ =	vpop (xrf2)  }
0x226: {  	s26 =	sadd.s32 $0x1000, s26;
	v47 =	vld [tilespmem:s24+$0x400];
	v50 =	vmul.f32 v9, v3;
	(xrf2) =	vadd.scan.msk.f32 $0xffff, v0;
	v49 =	vadd.f32 v63, v2;
	v40 =	vadd.f32 v62, v1;
	v21, _, _ =	vpop (xrf2)  }
0x227: {  	v0 =	vld [tilespmem:s24+$0x8440]  }
0x228: {  	v2 =	vld [tilespmem:s24+$0x450]  }
0x229: {  	v6 =	vld [tilespmem:s24+$0x8450]  }
0x22a: {  	v9 =	vld [tilespmem:s24+$0x460]  }
0x22b: {  	v11 =	vld [tilespmem:s24+$0x8460]  }
0x22c: {  	v12 =	vld [tilespmem:s24+$0x470]  }
0x22d: {  	v24 =	vmul.f32 v26, v54;
	v26 =	vld [tilespmem:s24+$0x8470]  }
0x22e: {  	v25 =	vmul.f32 v28, v25;
	v28 =	vld [tilespmem:s24+$0x8520]  }
0x22f: {  	v7 =	vmul.f32 v31, v30;
	v31 =	vld [tilespmem:s24+$0x530]  }
0x230: {  	v30 =	vmul.f32 v33, v32;
	v33 =	vld [tilespmem:s24+$0x8530]  }
0x231: {  	v13 =	vmul.f32 v37, v36;
	v36 =	vld [tilespmem:s24+$0x85E0]  }
0x232: {  	v4 =	vadd.f32 v48, v51;
	v48 =	vld [tilespmem:$0x1FF90]  }
0x233: {  	v51 =	vld [tilespmem:s24+$0x86B0]  }
0x234: {  	v55 =	vld [tilespmem:$0x1FF60]  }
0x235: {  	v56 =	vld [tilespmem:$0x1FF70]  }
0x236: {  	v57 =	vld [tilespmem:s24+$0x8760]  }
0x237: {  	v60 =	vld [tilespmem:$0x1FF30]  }
0x238: {  	v22 =	vmul.f32 v35, v34;
	v34 =	vmul.f32 v29, v27;
	v61 =	vld [tilespmem:$0x1FF40]  }
0x239: {  	v35 =	vmul.f32 v23, v14;
	v62 =	vld [tilespmem:s24+$0x770];
	v3 =	vadd.f32 $0.0e+00, v50;
	v5 =	vmul.f32 v41, v47  }
0x23a: {  	v8 =	vadd.f32 v42, v49;
	v42 =	vld [tilespmem:s24+$0x85F0];
	v1 =	vmul.f32 v39, v46;
	v0 =	vmul.f32 v0, v45  }
0x23b: {  	v10 =	vmul.f32 v44, v38;
	v49 =	vld [tilespmem:s24+$0x6B0];
	v4 =	vadd.f32 v7, v4;
	v5 =	vadd.f32 $0.0e+00, v5  }
0x23c: {  	v50 =	vld [tilespmem:$0x1FFA0];
	v1 =	vadd.f32 v1, v3;
	v2 =	vmul.f32 v6, v2;
	v0 =	vadd.f32 $0.0e+00, v0  }
0x23d: {  	v38 =	vmul.f32 v19, v18;
	v39 =	vld [tilespmem:s24+$0x5F0];
	v4 =	vadd.f32 v24, v4;
	v5 =	vadd.f32 v10, v5  }
0x23e: {  	v47 =	vld [tilespmem:$0x1FF80];
	v32 =	vmul.f32 v11, v9;
	v1 =	vadd.f32 v22, v1;
	v0 =	vadd.f32 v2, v0  }
0x23f: {  	(xrf2) =	vadd.scan.msk.f32 $0xffff, v40;
	v3 =	vadd.f32 $0.0e+00, v30;
	v37 =	vmul.f32 v26, v12;
	v45 =	vld [tilespmem:s24+$0x86A0];
	v5 =	vadd.f32 v13, v5  }
0x240: {  	(xrf2) =	vadd.scan.msk.f32 $0xffff, v8;
	v41 =	vmul.f32 v28, v20;
	v20 =	vld [tilespmem:$0x1FF50];
	v1 =	vadd.f32 v25, v1;
	v0 =	vadd.f32 v32, v0  }
0x241: {  	v44 =	vmul.f32 v16, v15;
	v26 =	vld [tilespmem:$0x1FF20];
	(xrf2) =	vadd.scan.msk.f32 $0xffff, v4;
	v3 =	vadd.f32 v35, v3;
	v40 =	vadd.f32 v34, v5  }
0x242: {  	v43 =	vadd.f32 $0.0e+00, v38;
	v46 =	vmul.f32 v33, v31;
	v33 =	vld [tilespmem:$0x1FEE0];
	(xrf2) =	vadd.scan.msk.f32 $0xffff, v1;
	v0 =	vadd.f32 v37, v0  }
0x243: {  	v3 =	vadd.f32 v41, v3;
	v25 =	vld [tilespmem:$0x1FF10];
	v5 =	vmul.f32 v48, v47;
	(xrf2) =	vadd.scan.msk.f32 $0xffff, v40  }
0x244: {  	v2 =	vmul.f32 v36, v50;
	v1 =	vadd.f32 v44, v43;
	v32 =	vld [tilespmem:$0x1FF00];
	(xrf2) =	vadd.scan.msk.f32 $0xffff, v0  }
0x245: {  	v4 =	vmul.f32 v56, v55;
	v53 =	vadd.f32 v46, v3;
	v34 =	vld [tilespmem:$0x1FEF0];
	v54 =	vadd.f32 $0.0e+00, v5  }
0x246: {  	v58, _, _ =	vpop (xrf2);
	v6 =	vmul.f32 v61, v60;
	v22 =	vld [tilespmem:s24+$0x8770];
	v59 =	vmul.f32 v42, v39;
	v1 =	vadd.f32 v2, v1  }
0x247: {  	v63, _, _ =	vpop (xrf2);
	v37 =	vld [tilespmem:$0x1FED0];
	v3 =	vadd.f32 v4, v54;
	v4 =	vmul.f32 v45, v20;
	(xrf2) =	vadd.scan.msk.f32 $0xffff, v53  }
0x248: {  	v27 =	vld [tilespmem:s24+$0x7E0];
	v24 =	vadd.f32 $0.0e+00, v6;
	v23, _, _ =	vpop (xrf2);
	v6 =	vmul.f32 v26, v25;
	v1 =	vadd.f32 v59, v1  }
0x249: {  	v30 =	vld [tilespmem:s24+$0x87E0];
	v29 =	vmul.f32 v51, v49;
	v28, _, _ =	vpop (xrf2);
	v3 =	vadd.f32 v4, v3  }
0x24a: {  	v38 =	vld [tilespmem:s24+$0x87F0];
	v31, _, _ =	vpop (xrf2);
	v2 =	vadd.f32 v6, v24;
	v5 =	vmul.f32 v57, v32;
	v6 =	vmul.f32 v34, v33;
	(xrf2) =	vadd.scan.msk.f32 $0xffff, v1  }
0x24b: {  	v35 =	vld [tilespmem:s24+$0x7F0];
	v40 =	vmul.f32 v22, v62;
	v36, _, _ =	vpop (xrf2);
	v3 =	vadd.f32 v29, v3  }
0x24c: {  	v4 =	vmul.f32 v37, v17;
	v2 =	vadd.f32 v5, v2;
	v6 =	vadd.f32 $0.0e+00, v6;
	v39, _, _ =	vpop (xrf2)  }
0x24d: {  	(xrf2) =	vadd.scan.msk.f32 $0xffff, v3;
	v41, _, _ =	vpop (xrf2)  }
0x24e: {  	v43 =	vmul.f32 v30, v27;
	v2 =	vadd.f32 v40, v2;
	v42 =	vadd.f32 v4, v6;
	v44, _, _ =	vpop (xrf2)  }
0x24f: {  	v45 =	vbroadcast v41, $0xF;
	v5 =	vbroadcast v44, $0xF  }
0x250: {  	v47 =	vmul.f32 v38, v35;
	v46 =	vbroadcast v39, $0xF;
	v3 =	vadd.f32 v43, v42;
	(xrf2) =	vadd.scan.msk.f32 $0xffff, v2  }
0x251: {  	v1 =	vbroadcast v36, $0xF;
	v49, _, _ =	vpop (xrf2);
	v48 =	vsel vm0, v45, v5  }
0x252: {  	v3 =	vadd.f32 v47, v3;
	v5 =	vbroadcast v49, $0xF;
	v2 =	vsel vm1, v48, v46  }
0x253: {  	v50 =	vbroadcast v31, $0xF;
	v1 =	vsel vm2, v2, v1  }
0x254: {  	v51 =	vbroadcast v28, $0xF;
	v53, _, _ =	vpop (xrf2);
	(xrf2) =	vadd.scan.msk.f32 $0xffff, v3;
	v1 =	vsel vm3, v1, v5  }
0x255: {  	v54 =	vbroadcast v53, $0xF;
	v1 =	vsel vm4, v1, v50  }
0x256: {  	v0 =	vbroadcast v23, $0xF;
	v1 =	vsel vm5, v1, v51  }
0x257: {  	v55 =	vbroadcast v63, $0xF;
	v56, _, _ =	vpop (xrf2);
	v1 =	vsel vm6, v1, v54  }
0x258: {  	v57 =	vbroadcast v56, $0xF;
	v0 =	vsel vm7, v1, v0  }
0x259: {  	v58 =	vbroadcast v58, $0xF;
	v0 =	vsel vm8, v0, v55  }
0x25a: {  	v59 =	vbroadcast v21, $0xF;
	v60, _, _ =	vpop (xrf2);
	v0 =	vsel vm9, v0, v57  }
0x25b: {  	v61 =	vbroadcast v60, $0xF;
	v0 =	vsel vm10, v0, v58  }
0x25c: {  	v62 =	vbroadcast v52, $0xF;
	v0 =	vsel vm11, v0, v59  }
0x25d: {  	v0 =	vsel vm12, v0, v61  }
0x25e: {  	v63, _, _ =	vpop (xrf2);
	v0 =	vsel vm13, v0, v62  }
0x25f: {  	v0 =	vsel vm14, v0, v63  }
0x260: {  	v0 =	vsub.f32 $0.0e+00, v0;
	_ =	sdelay $0x1  }
0x261: {  	v0 =	vmul.f32 $1.442695020e+00, v0;
	_ =	sdelay $0x1  }
0x262: {  	(erf) = vpow2.f32 v0;
	_ =	sdelay $0x8  }
0x263: {  	v0 =	vpop (erf)  }
0x264: {  	v0 =	vadd.f32 $1.000000000e+00, v0;
	_ =	sdelay $0x1  }
0x265: {  	(erf) = vrcp.f32 v0;
	_ =	sdelay $0x7  }
0x266: {  	s23 =	sadd.s32 $0x1, s23  }
0x267: {  	s26 =	sadd.s32 $0x10, s25;
	p0 =	sne.s32 s23, s14;
	v0 =	vpop (erf)  }
.Ltmp1:
0x268: {  	[tilespmem:s26+$0x0] =	vst v0;
	(pc) =	sbr.rel @p0 .LBB2_1-.Ltmp1, $4  }
0x269: {  	[hbm4b:s13+s1] =	stream.linear.scatter [tilespmem:s2], [sflag:$0x2], $0x200, $0x38;
	[tilespmem:$0x10600] =	vst v63  }
0x26a: {  	_ =	swait.ge [sflag:s15], $0x200  }
0x26b: {  	[sflag:s15] =	ssyncset.done $0x0  }
0x26c: {  	[sflag:s15] =	ssyncadd.s32 $0xFFFFFE00  }
0x26d: {  	_ =	sfence.sel $0x180000  }
0x26e: {  	[bflag:$0x0] =	sbarrier.arrive $0xFFFF  }
0x26f: {  	_ =	strace $0x90000047  }
0x270: {  	s0 =	stileid.u32;
	[bflag:$0x2] =	sbarrier.arrive $0xFFFF  }
0x271: {  	p0 =	sne.s32 s0, $0x0;
	s0 =	rddreg [dreg:$0x4]  }
0x272: {  	s0 =	sadd.s32 @!p0 $0x100000, s0  }
0x273: {  	[sflag:s0] =	ssyncadd.tile.s32 @!p0 $0x1;
	_ =	shalt  }
.Lfunc_end2:
_tile_overlayer_lowered:
.L_overlay_start_2:
0x274: {  	(tag) =	ssettag $0x2  }
0x275: {  	s0 =	rddreg [dreg:$0x0];
	s2 =	stileid.u32  }
0x276: {  	s1 =	rddreg [dreg:$0x1];
	p0 =	sne.s32 s2, $0x0  }
0x277: {  	s3 =	rddreg [dreg:$0x2];
	[bflag:$0x3] =	sbarrier.arrive $0xFFFF;
	s2 =	simm.s32 @!p0 $0x1C02  }
0x278: {  	[timem:s3], [sflag:s2] =	dma.local @!p0 [hbm:s0], s1  }
0x279: {  	s0 =	simm.s32 @!p0 $0x2  }
0x27a: {  	_ =	swait.ge @!p0 [sflag:s0], s1  }
0x27b: {  	s1 =	ssub.s32 @!p0 $0x0, s1;
	[sflag:s0] =	ssyncset.done @!p0 $0x0  }
0x27c: {  	[sflag:s0] =	ssyncadd.s32 @!p0 s1  }
0x27d: {  	[bflag:$0x3] =	sbarrier.arrive $0xFFFF  }
0x27e: {  	_ =	shalt  }

</sc_bundles>
